<compile_context>
chip_gen: v7x
topology: tpu7x:2x2x1
jax: 0.10.2.dev20260603
libtpu: 0.0.44.dev20260713+nightly
codegen_flags: <defaults>
</compile_context>

<pallas_src>
import functools

import jax
import jax.numpy as jnp
from jax import lax
from jax.experimental import pallas as pl
from jax.experimental.pallas import tpu as pltpu
from jax.experimental.pallas import tpu_sc as plsc

OUT_PAD = 256
M = 8
S_TC = 0
R = 32
NW = 32


def _sc_reduce(point_flat, B, S, H):
    nrows = (S - S_TC) // 2
    chw = R * H
    nchunks = nrows // R
    assert nchunks % 2 == 0 and nrows % R == 0

    mesh = plsc.VectorSubcoreMesh(core_axis_name="c", subcore_axis_name="s")

    @functools.partial(
        pl.kernel,
        out_type=jax.ShapeDtypeStruct((2 * B * H,), jnp.float32),
        mesh=mesh,
        scratch_types=[
            pltpu.VMEM((chw,), jnp.float32),
            pltpu.VMEM((chw,), jnp.float32),
            pltpu.VMEM((H,), jnp.float32),
            pltpu.SemaphoreType.DMA,
            pltpu.SemaphoreType.DMA,
        ],
    )
    def sc_kernel(pe_hbm, out_hbm, buf0, buf1, acc, sem0, sem1):
        wid = lax.axis_index("s") * 2 + lax.axis_index("c")
        b = lax.rem(wid, B)
        half = wid // B
        base = (b * S + S_TC + half * nrows) * H

        @pl.loop(0, H, step=16)
        def _(g):
            acc[pl.ds(g, 16)] = jnp.full((16,), -jnp.inf, jnp.float32)

        def start(c, buf, sem):
            pltpu.async_copy(pe_hbm.at[pl.ds(base + c * chw, chw)], buf, sem)

        def wait(buf, sem):
            pltpu.make_async_copy(pe_hbm.at[pl.ds(base, chw)], buf, sem).wait()

        def consume(buf):
            @pl.loop(0, H, step=16)
            def _(g):
                m = buf[pl.ds(g, 16)]
                for r in range(1, R):
                    m = jnp.maximum(m, buf[pl.ds(r * H + g, 16)])
                acc[pl.ds(g, 16)] = jnp.maximum(acc[pl.ds(g, 16)], m)

        start(0, buf0, sem0)

        @pl.loop(0, nchunks, step=2)
        def _(c):
            start(c + 1, buf1, sem1)
            wait(buf0, sem0)
            consume(buf0)

            @pl.when(c + 2 < nchunks)
            def _():
                start(c + 2, buf0, sem0)

            wait(buf1, sem1)
            consume(buf1)

        pltpu.sync_copy(acc, out_hbm.at[pl.ds((half * B + b) * H, H)])

    return sc_kernel(point_flat)


def _tc_reduce_body(*refs):
    pe_refs = refs[:M]
    out_ref = refs[M]
    out_ref[...] = functools.reduce(
        jnp.maximum,
        [jnp.max(r[...], axis=0, keepdims=True) for r in pe_refs])


def _tc_reduce(point_embeds, B, S, H):
    ch = S_TC // M

    def pe_spec(i):
        return pl.BlockSpec((ch, H), lambda b, i=i: ((b * S) // ch + i, 0))

    return pl.pallas_call(
        _tc_reduce_body,
        grid=(B,),
        in_specs=[pe_spec(i) for i in range(M)],
        out_specs=pl.BlockSpec((1, H), lambda b: (b, 0)),
        out_shape=jax.ShapeDtypeStruct((B, H), jnp.float32),
    )(*([point_embeds] * M))


def _mlp_body(*refs):
    *part_refs, pos_ref, w1a_ref, w1p_ref, b1_ref, w2_ref, b2_ref, out_ref = refs
    x = functools.reduce(jnp.maximum, [r[...] for r in part_refs])
    h = jax.lax.dot_general(
        x, w1a_ref[...], (((1,), (0,)), ((), ())),
        preferred_element_type=jnp.float32)
    h += jax.lax.dot_general(
        pos_ref[...], w1p_ref[...], (((1,), (0,)), ((), ())),
        preferred_element_type=jnp.float32)
    h += b1_ref[...]
    h = jnp.where(h > 0, h, 0.02 * h)
    out = jax.lax.dot_general(
        h, w2_ref[...], (((1,), (0,)), ((), ())),
        preferred_element_type=jnp.float32)
    out_ref[...] = out + b2_ref[...]


def _mlp(partials, pos_condition, W1a, W1p, b1r, W2p, b2p, B, H):
    n = len(partials)
    whole = lambda shape: pl.BlockSpec(shape, lambda: tuple(0 for _ in shape))
    return pl.pallas_call(
        _mlp_body,
        grid=(),
        in_specs=[whole((B, H))] * n + [
            whole((B, 3)), whole((H, H)), whole((3, H)), whole((1, H)),
            whole((H, OUT_PAD)), whole((1, OUT_PAD)),
        ],
        out_specs=whole((B, OUT_PAD)),
        out_shape=jax.ShapeDtypeStruct((B, OUT_PAD), jnp.float32),
    )(*partials, pos_condition, W1a, W1p, b1r, W2p, b2p)


def kernel(point_embeds, npoints_in_batch, pos_condition, W1, b1, W2, b2):
    T, H = point_embeds.shape
    B = pos_condition.shape[0]
    S = T // B
    OUT = W2.shape[1]

    W1a = W1[:H]
    W1p = W1[H:]
    b1r = b1.reshape(1, H)
    W2p = jnp.pad(W2, ((0, 0), (0, OUT_PAD - OUT)))
    b2p = jnp.pad(b2, (0, OUT_PAD - OUT)).reshape(1, OUT_PAD)

    partials = []
    if S_TC < S:
        sc_flat = _sc_reduce(point_embeds.reshape(-1), B, S, H)
        sc_part = sc_flat.reshape(2, B, H)
        partials += [sc_part[0], sc_part[1]]
    if S_TC > 0:
        partials.append(_tc_reduce(point_embeds, B, S, H))

    out = _mlp(partials, pos_condition, W1a, W1p, b1r, W2p, b2p, B, H)

    action_embeds = out[:, :OUT]
    xr = action_embeds[..., : OUT - 1].reshape(-1, (OUT - 1) // 3, 3)
    xo = action_embeds[..., OUT - 1]
    return (xr, xo)

# --- scband reference (transcript-rebuilt; emitter-appended) ---
"""Pipeline reference for scband-action-head-64604898066574 (READ-ONLY COPY).

The authoritative reference and input builder live on the scoring server;
editing this copy changes nothing except your own understanding.
"""

import jax, jax.numpy as jnp
import numpy as np

EULER_BINS = 360 // 5  # 72
OUT_SIZE = EULER_BINS * 3 + 1  # 217
HIDDEN = 1024
BATCH = 16
SEG = 2048
TOTAL = BATCH * SEG  # 32768


def leaky_relu(x, slope=0.02):
    return jnp.where(x > 0, x, slope * x)


def setup_inputs(seed: int = 0) -> dict:
    key = jax.random.key(seed)
    ks = jax.random.split(key, 6)
    point_embeds = jax.random.normal(ks[0], (TOTAL, HIDDEN), dtype=jnp.float32)
    pos_condition = jax.random.normal(ks[1], (BATCH, 3), dtype=jnp.float32)
    # action_mlp params: Linear(hidden+3 -> hidden), LeakyReLU(0.02), Linear(hidden -> 217)
    W1 = jax.random.normal(ks[2], (HIDDEN + 3, HIDDEN), dtype=jnp.float32) * 0.02
    b1 = jnp.zeros((HIDDEN,), dtype=jnp.float32)
    W2 = jax.random.normal(ks[3], (HIDDEN, OUT_SIZE), dtype=jnp.float32) * 0.02
    b2 = jnp.zeros((OUT_SIZE,), dtype=jnp.float32)
    return {
        "point_embeds": point_embeds,
        "npoints_in_batch": SEG,
        "pos_condition": pos_condition,
        "W1": W1, "b1": b1, "W2": W2, "b2": b2,
    }


def reference(point_embeds, npoints_in_batch, pos_condition, W1, b1, W2, b2):
    # conditioned_rot with reduce='max', rot_pred_type='euler_disc'
    B = pos_condition.shape[0]
    # torch.split(point_embeds, npoints) + per-chunk max  ==  segment max
    segment_ids = (jnp.arange(point_embeds.shape[0]) // npoints_in_batch).astype(jnp.int32)
    pc_embeds = jax.ops.segment_max(point_embeds, segment_ids, num_segments=B)
    pc_embeds = jnp.concatenate([pc_embeds, pos_condition], axis=-1)
    h = leaky_relu(pc_embeds @ W1 + b1)
    action_embeds = h @ W2 + b2
    xr = action_embeds[..., : EULER_BINS * 3].reshape(-1, EULER_BINS, 3)
    xo = action_embeds[..., -1]
    return (xr, xo)

if __name__ == "__main__":
    import jax
    _d = setup_inputs()
    print(jax.jit(kernel)(*tuple(_d.values())))

</pallas_src>

<mosaic_0001>
#map = affine_map<(d0, d1) -> (0)>
module attributes {stable_mosaic.version = 14 : i64} {
  func.func @sc_kernel(%arg0: i32, %arg1: i32, %arg2: memref<33554432xf32, #tpu.memory_space<hbm>>, %arg3: memref<32768xf32, #tpu.memory_space<hbm>>, %arg4: memref<32768xf32, #tpu.memory_space<vmem>>, %arg5: memref<32768xf32, #tpu.memory_space<vmem>>, %arg6: memref<1024xf32, #tpu.memory_space<vmem>>, %arg7: memref<!tpu.dma_semaphore, #tpu.memory_space<semaphore_mem>>, %arg8: memref<!tpu.dma_semaphore, #tpu.memory_space<semaphore_mem>>) attributes {dimension_semantics = [#tpu.dimension_semantics<core_parallel>, #tpu.dimension_semantics<subcore_parallel>], iteration_bounds = array<i64: 2, 16>, scalar_prefetch = 0 : i64, scratch_operands = 5 : i64, tpu.core_type = #tpu.core_type<sc_vector_subcore>, window_params = [{transform_indices = #map}, {transform_indices = #map}]} {
    %mul3A = arith.constant 2 : i32
    %mul3A_0 = arith.muli %arg1, %mul3A : i32
    %add3A = arith.addi %mul3A_0, %arg0 : i32
    %rem3A = arith.constant 16 : i32
    %rem3A_1 = arith.remsi %add3A, %rem3A : i32
    %jit3A = arith.constant 16 : i32
    %div3A = arith.divsi %add3A, %jit3A : i32
    %sign3A = arith.constant 0 : i32
    %sign3A_2 = arith.cmpi sgt, %add3A, %sign3A : i32
    %sign3A_3 = arith.extui %sign3A_2 : i1 to i32
    %sign3A_4 = arith.constant 0 : i32
    %sign3A_5 = arith.cmpi slt, %add3A, %sign3A_4 : i32
    %sign3A_6 = arith.extui %sign3A_5 : i1 to i32
    %sign3A_7 = arith.subi %sign3A_3, %sign3A_6 : i32
    %sign3A_8 = arith.constant 0 : i32
    %sign3A_9 = arith.cmpi sgt, %jit3A, %sign3A_8 : i32
    %sign3A_10 = arith.extui %sign3A_9 : i1 to i32
    %sign3A_11 = arith.constant 0 : i32
    %sign3A_12 = arith.cmpi slt, %jit3A, %sign3A_11 : i32
    %sign3A_13 = arith.extui %sign3A_12 : i1 to i32
    %sign3A_14 = arith.subi %sign3A_10, %sign3A_13 : i32
    %ne3A = arith.cmpi ne, %sign3A_7, %sign3A_14 : i32
    %rem3A_15 = arith.remsi %add3A, %jit3A : i32
    %ne3A_16 = arith.constant 0 : i32
    %ne3A_17 = arith.cmpi ne, %rem3A_15, %ne3A_16 : i32
    %and3A = arith.andi %ne3A, %ne3A_17 : i1
    %sub3A = arith.constant 1 : i32
    %sub3A_18 = arith.subi %div3A, %sub3A : i32
    %select_n3A = arith.select %and3A, %sub3A_18, %div3A : i32
    %mul3A_19 = arith.constant 2048 : i32
    %mul3A_20 = arith.muli %rem3A_1, %mul3A_19 : i32
    %add3A_21 = arith.constant 0 : i32
    %add3A_22 = arith.addi %mul3A_20, %add3A_21 : i32
    %mul3A_23 = arith.constant 1024 : i32
    %mul3A_24 = arith.muli %select_n3A, %mul3A_23 : i32
    %add3A_25 = arith.addi %add3A_22, %mul3A_24 : i32
    %mul3A_26 = arith.constant 1024 : i32
    %mul3A_27 = arith.muli %add3A_25, %mul3A_26 : i32
    %scan3A = arith.constant 0 : i32
    %scan3A_28 = arith.constant 64 : i32
    %scan3A_29 = arith.addi %scan3A, %scan3A_28 : i32
    %scan3A_30 = arith.constant 1 : i32
    scf.for %scan3A_45 = %scan3A to %scan3A_29 step %scan3A_30  : i32 {
      %mul3A_46 = arith.constant 16 : i32
      %mul3A_47 = arith.muli %scan3A_45, %mul3A_46 : i32
      %add3A_48 = arith.constant 0 : i32
      %add3A_49 = arith.addi %add3A_48, %mul3A_47 : i32
      %broadcast_in_dim3A = arith.constant 0xFF800000 : f32
      %broadcast_in_dim3A_50 = vector.broadcast %broadcast_in_dim3A : f32 to vector<16xf32>
      %swap3A = arith.index_cast %add3A_49 : i32 to index
      %swap3A_51 = tpu.vector_load %arg6[%swap3A] {strides = array<i32>} : memref<1024xf32, #tpu.memory_space<vmem>>, vector<16xf32>,
      %swap3A_52 = vector.shape_cast %swap3A_51 : vector<16xf32> to vector<16xf32>
      %swap3A_53 = vector.shape_cast %broadcast_in_dim3A_50 : vector<16xf32> to vector<16xf32>
      tpu.vector_store %arg6[%swap3A], %swap3A_53 {strides = array<i32>} : memref<1024xf32, #tpu.memory_space<vmem>>, vector<16xf32>,
    }
    %scan3A_31 = arith.constant 64 : i32
    %add3A_32 = arith.constant 0 : i32
    %add3A_33 = arith.addi %mul3A_27, %add3A_32 : i32
    %dma_start3A = tpu.memref_slice %arg2[%add3A_33] : memref<33554432xf32, #tpu.memory_space<hbm>> -> memref<32768xf32, #tpu.memory_space<hbm>>
    %dma_start3A_34 = tpu.memref_slice %arg2[%add3A_33] : memref<33554432xf32, #tpu.memory_space<hbm>> -> memref<32768xf32, #tpu.memory_space<hbm>>
    tpu.enqueue_dma source(%dma_start3A_34 : memref<32768xf32, #tpu.memory_space<hbm>>) target(%arg4 : memref<32768xf32, #tpu.memory_space<vmem>>) target_semaphore(%arg7 : memref<!tpu.dma_semaphore, #tpu.memory_space<semaphore_mem>>)
    %scan3A_35 = arith.constant 0 : i32
    %scan3A_36 = arith.constant 16 : i32
    %scan3A_37 = arith.addi %scan3A_35, %scan3A_36 : i32
    %scan3A_38 = arith.constant 1 : i32
    scf.for %scan3A_45 = %scan3A_35 to %scan3A_37 step %scan3A_38  : i32 {
      %mul3A_46 = arith.constant 2 : i32
      %mul3A_47 = arith.muli %scan3A_45, %mul3A_46 : i32
      %add3A_48 = arith.constant 0 : i32
      %add3A_49 = arith.addi %add3A_48, %mul3A_47 : i32
      %add3A_50 = arith.constant 1 : i32
      %add3A_51 = arith.addi %add3A_49, %add3A_50 : i32
      %mul3A_52 = arith.constant 32768 : i32
      %mul3A_53 = arith.muli %add3A_51, %mul3A_52 : i32
      %add3A_54 = arith.addi %mul3A_27, %mul3A_53 : i32
      %dma_start3A_55 = tpu.memref_slice %arg2[%add3A_54] : memref<33554432xf32, #tpu.memory_space<hbm>> -> memref<32768xf32, #tpu.memory_space<hbm>>
      %dma_start3A_56 = tpu.memref_slice %arg2[%add3A_54] : memref<33554432xf32, #tpu.memory_space<hbm>> -> memref<32768xf32, #tpu.memory_space<hbm>>
      tpu.enqueue_dma source(%dma_start3A_56 : memref<32768xf32, #tpu.memory_space<hbm>>) target(%arg5 : memref<32768xf32, #tpu.memory_space<vmem>>) target_semaphore(%arg8 : memref<!tpu.dma_semaphore, #tpu.memory_space<semaphore_mem>>)
      %dma_wait3A = tpu.memref_slice %arg2[%mul3A_27] : memref<33554432xf32, #tpu.memory_space<hbm>> -> memref<32768xf32, #tpu.memory_space<hbm>>
      %dma_wait3A_57 = tpu.memref_slice %arg2[%mul3A_27] : memref<33554432xf32, #tpu.memory_space<hbm>> -> memref<32768xf32, #tpu.memory_space<hbm>>
      tpu.wait_dma2 semaphore(%arg7 : memref<!tpu.dma_semaphore, #tpu.memory_space<semaphore_mem>>) src(%dma_wait3A_57 : memref<32768xf32, #tpu.memory_space<hbm>>) dst(%arg4 : memref<32768xf32, #tpu.memory_space<vmem>>)
      %scan3A_58 = arith.constant 0 : i32
      %scan3A_59 = arith.constant 64 : i32
      %scan3A_60 = arith.addi %scan3A_58, %scan3A_59 : i32
      %scan3A_61 = arith.constant 1 : i32
      scf.for %scan3A_74 = %scan3A_58 to %scan3A_60 step %scan3A_61  : i32 {
        %mul3A_75 = arith.constant 16 : i32
        %mul3A_76 = arith.muli %scan3A_74, %mul3A_75 : i32
        %add3A_77 = arith.constant 0 : i32
        %add3A_78 = arith.addi %add3A_77, %mul3A_76 : i32
        %get3A = arith.index_cast %add3A_78 : i32 to index
        %get3A_79 = tpu.vector_load %arg4[%get3A] {strides = array<i32>} : memref<32768xf32, #tpu.memory_space<vmem>>, vector<16xf32>,
        %get3A_80 = vector.shape_cast %get3A_79 : vector<16xf32> to vector<16xf32>
        %add3A_81 = arith.constant 1024 : i32
        %add3A_82 = arith.addi %add3A_81, %add3A_78 : i32
        %get3A_83 = arith.index_cast %add3A_82 : i32 to index
        %get3A_84 = tpu.vector_load %arg4[%get3A_83] {strides = array<i32>} : memref<32768xf32, #tpu.memory_space<vmem>>, vector<16xf32>,
        %get3A_85 = vector.shape_cast %get3A_84 : vector<16xf32> to vector<16xf32>
        %max3A = arith.maximumf %get3A_80, %get3A_85 : vector<16xf32>
        %add3A_86 = arith.constant 2048 : i32
        %add3A_87 = arith.addi %add3A_86, %add3A_78 : i32
        %get3A_88 = arith.index_cast %add3A_87 : i32 to index
        %get3A_89 = tpu.vector_load %arg4[%get3A_88] {strides = array<i32>} : memref<32768xf32, #tpu.memory_space<vmem>>, vector<16xf32>,
        %get3A_90 = vector.shape_cast %get3A_89 : vector<16xf32> to vector<16xf32>
        %max3A_91 = arith.maximumf %max3A, %get3A_90 : vector<16xf32>
        %add3A_92 = arith.constant 3072 : i32
        %add3A_93 = arith.addi %add3A_92, %add3A_78 : i32
        %get3A_94 = arith.index_cast %add3A_93 : i32 to index
        %get3A_95 = tpu.vector_load %arg4[%get3A_94] {strides = array<i32>} : memref<32768xf32, #tpu.memory_space<vmem>>, vector<16xf32>,
        %get3A_96 = vector.shape_cast %get3A_95 : vector<16xf32> to vector<16xf32>
        %max3A_97 = arith.maximumf %max3A_91, %get3A_96 : vector<16xf32>
        %add3A_98 = arith.constant 4096 : i32
        %add3A_99 = arith.addi %add3A_98, %add3A_78 : i32
        %get3A_100 = arith.index_cast %add3A_99 : i32 to index
        %get3A_101 = tpu.vector_load %arg4[%get3A_100] {strides = array<i32>} : memref<32768xf32, #tpu.memory_space<vmem>>, vector<16xf32>,
        %get3A_102 = vector.shape_cast %get3A_101 : vector<16xf32> to vector<16xf32>
        %max3A_103 = arith.maximumf %max3A_97, %get3A_102 : vector<16xf32>
        %add3A_104 = arith.constant 5120 : i32
        %add3A_105 = arith.addi %add3A_104, %add3A_78 : i32
        %get3A_106 = arith.index_cast %add3A_105 : i32 to index
        %get3A_107 = tpu.vector_load %arg4[%get3A_106] {strides = array<i32>} : memref<32768xf32, #tpu.memory_space<vmem>>, vector<16xf32>,
        %get3A_108 = vector.shape_cast %get3A_107 : vector<16xf32> to vector<16xf32>
        %max3A_109 = arith.maximumf %max3A_103, %get3A_108 : vector<16xf32>
        %add3A_110 = arith.constant 6144 : i32
        %add3A_111 = arith.addi %add3A_110, %add3A_78 : i32
        %get3A_112 = arith.index_cast %add3A_111 : i32 to index
        %get3A_113 = tpu.vector_load %arg4[%get3A_112] {strides = array<i32>} : memref<32768xf32, #tpu.memory_space<vmem>>, vector<16xf32>,
        %get3A_114 = vector.shape_cast %get3A_113 : vector<16xf32> to vector<16xf32>
        %max3A_115 = arith.maximumf %max3A_109, %get3A_114 : vector<16xf32>
        %add3A_116 = arith.constant 7168 : i32
        %add3A_117 = arith.addi %add3A_116, %add3A_78 : i32
        %get3A_118 = arith.index_cast %add3A_117 : i32 to index
        %get3A_119 = tpu.vector_load %arg4[%get3A_118] {strides = array<i32>} : memref<32768xf32, #tpu.memory_space<vmem>>, vector<16xf32>,
        %get3A_120 = vector.shape_cast %get3A_119 : vector<16xf32> to vector<16xf32>
        %max3A_121 = arith.maximumf %max3A_115, %get3A_120 : vector<16xf32>
        %add3A_122 = arith.constant 8192 : i32
        %add3A_123 = arith.addi %add3A_122, %add3A_78 : i32
        %get3A_124 = arith.index_cast %add3A_123 : i32 to index
        %get3A_125 = tpu.vector_load %arg4[%get3A_124] {strides = array<i32>} : memref<32768xf32, #tpu.memory_space<vmem>>, vector<16xf32>,
        %get3A_126 = vector.shape_cast %get3A_125 : vector<16xf32> to vector<16xf32>
        %max3A_127 = arith.maximumf %max3A_121, %get3A_126 : vector<16xf32>
        %add3A_128 = arith.constant 9216 : i32
        %add3A_129 = arith.addi %add3A_128, %add3A_78 : i32
        %get3A_130 = arith.index_cast %add3A_129 : i32 to index
        %get3A_131 = tpu.vector_load %arg4[%get3A_130] {strides = array<i32>} : memref<32768xf32, #tpu.memory_space<vmem>>, vector<16xf32>,
        %get3A_132 = vector.shape_cast %get3A_131 : vector<16xf32> to vector<16xf32>
        %max3A_133 = arith.maximumf %max3A_127, %get3A_132 : vector<16xf32>
        %add3A_134 = arith.constant 10240 : i32
        %add3A_135 = arith.addi %add3A_134, %add3A_78 : i32
        %get3A_136 = arith.index_cast %add3A_135 : i32 to index
        %get3A_137 = tpu.vector_load %arg4[%get3A_136] {strides = array<i32>} : memref<32768xf32, #tpu.memory_space<vmem>>, vector<16xf32>,
        %get3A_138 = vector.shape_cast %get3A_137 : vector<16xf32> to vector<16xf32>
        %max3A_139 = arith.maximumf %max3A_133, %get3A_138 : vector<16xf32>
        %add3A_140 = arith.constant 11264 : i32
        %add3A_141 = arith.addi %add3A_140, %add3A_78 : i32
        %get3A_142 = arith.index_cast %add3A_141 : i32 to index
        %get3A_143 = tpu.vector_load %arg4[%get3A_142] {strides = array<i32>} : memref<32768xf32, #tpu.memory_space<vmem>>, vector<16xf32>,
        %get3A_144 = vector.shape_cast %get3A_143 : vector<16xf32> to vector<16xf32>
        %max3A_145 = arith.maximumf %max3A_139, %get3A_144 : vector<16xf32>
        %add3A_146 = arith.constant 12288 : i32
        %add3A_147 = arith.addi %add3A_146, %add3A_78 : i32
        %get3A_148 = arith.index_cast %add3A_147 : i32 to index
        %get3A_149 = tpu.vector_load %arg4[%get3A_148] {strides = array<i32>} : memref<32768xf32, #tpu.memory_space<vmem>>, vector<16xf32>,
        %get3A_150 = vector.shape_cast %get3A_149 : vector<16xf32> to vector<16xf32>
        %max3A_151 = arith.maximumf %max3A_145, %get3A_150 : vector<16xf32>
        %add3A_152 = arith.constant 13312 : i32
        %add3A_153 = arith.addi %add3A_152, %add3A_78 : i32
        %get3A_154 = arith.index_cast %add3A_153 : i32 to index
        %get3A_155 = tpu.vector_load %arg4[%get3A_154] {strides = array<i32>} : memref<32768xf32, #tpu.memory_space<vmem>>, vector<16xf32>,
        %get3A_156 = vector.shape_cast %get3A_155 : vector<16xf32> to vector<16xf32>
        %max3A_157 = arith.maximumf %max3A_151, %get3A_156 : vector<16xf32>
        %add3A_158 = arith.constant 14336 : i32
        %add3A_159 = arith.addi %add3A_158, %add3A_78 : i32
        %get3A_160 = arith.index_cast %add3A_159 : i32 to index
        %get3A_161 = tpu.vector_load %arg4[%get3A_160] {strides = array<i32>} : memref<32768xf32, #tpu.memory_space<vmem>>, vector<16xf32>,
        %get3A_162 = vector.shape_cast %get3A_161 : vector<16xf32> to vector<16xf32>
        %max3A_163 = arith.maximumf %max3A_157, %get3A_162 : vector<16xf32>
        %add3A_164 = arith.constant 15360 : i32
        %add3A_165 = arith.addi %add3A_164, %add3A_78 : i32
        %get3A_166 = arith.index_cast %add3A_165 : i32 to index
        %get3A_167 = tpu.vector_load %arg4[%get3A_166] {strides = array<i32>} : memref<32768xf32, #tpu.memory_space<vmem>>, vector<16xf32>,
        %get3A_168 = vector.shape_cast %get3A_167 : vector<16xf32> to vector<16xf32>
        %max3A_169 = arith.maximumf %max3A_163, %get3A_168 : vector<16xf32>
        %add3A_170 = arith.constant 16384 : i32
        %add3A_171 = arith.addi %add3A_170, %add3A_78 : i32
        %get3A_172 = arith.index_cast %add3A_171 : i32 to index
        %get3A_173 = tpu.vector_load %arg4[%get3A_172] {strides = array<i32>} : memref<32768xf32, #tpu.memory_space<vmem>>, vector<16xf32>,
        %get3A_174 = vector.shape_cast %get3A_173 : vector<16xf32> to vector<16xf32>
        %max3A_175 = arith.maximumf %max3A_169, %get3A_174 : vector<16xf32>
        %add3A_176 = arith.constant 17408 : i32
        %add3A_177 = arith.addi %add3A_176, %add3A_78 : i32
        %get3A_178 = arith.index_cast %add3A_177 : i32 to index
        %get3A_179 = tpu.vector_load %arg4[%get3A_178] {strides = array<i32>} : memref<32768xf32, #tpu.memory_space<vmem>>, vector<16xf32>,
        %get3A_180 = vector.shape_cast %get3A_179 : vector<16xf32> to vector<16xf32>
        %max3A_181 = arith.maximumf %max3A_175, %get3A_180 : vector<16xf32>
        %add3A_182 = arith.constant 18432 : i32
        %add3A_183 = arith.addi %add3A_182, %add3A_78 : i32
        %get3A_184 = arith.index_cast %add3A_183 : i32 to index
        %get3A_185 = tpu.vector_load %arg4[%get3A_184] {strides = array<i32>} : memref<32768xf32, #tpu.memory_space<vmem>>, vector<16xf32>,
        %get3A_186 = vector.shape_cast %get3A_185 : vector<16xf32> to vector<16xf32>
        %max3A_187 = arith.maximumf %max3A_181, %get3A_186 : vector<16xf32>
        %add3A_188 = arith.constant 19456 : i32
        %add3A_189 = arith.addi %add3A_188, %add3A_78 : i32
        %get3A_190 = arith.index_cast %add3A_189 : i32 to index
        %get3A_191 = tpu.vector_load %arg4[%get3A_190] {strides = array<i32>} : memref<32768xf32, #tpu.memory_space<vmem>>, vector<16xf32>,
        %get3A_192 = vector.shape_cast %get3A_191 : vector<16xf32> to vector<16xf32>
        %max3A_193 = arith.maximumf %max3A_187, %get3A_192 : vector<16xf32>
        %add3A_194 = arith.constant 20480 : i32
        %add3A_195 = arith.addi %add3A_194, %add3A_78 : i32
        %get3A_196 = arith.index_cast %add3A_195 : i32 to index
        %get3A_197 = tpu.vector_load %arg4[%get3A_196] {strides = array<i32>} : memref<32768xf32, #tpu.memory_space<vmem>>, vector<16xf32>,
        %get3A_198 = vector.shape_cast %get3A_197 : vector<16xf32> to vector<16xf32>
        %max3A_199 = arith.maximumf %max3A_193, %get3A_198 : vector<16xf32>
        %add3A_200 = arith.constant 21504 : i32
        %add3A_201 = arith.addi %add3A_200, %add3A_78 : i32
        %get3A_202 = arith.index_cast %add3A_201 : i32 to index
        %get3A_203 = tpu.vector_load %arg4[%get3A_202] {strides = array<i32>} : memref<32768xf32, #tpu.memory_space<vmem>>, vector<16xf32>,
        %get3A_204 = vector.shape_cast %get3A_203 : vector<16xf32> to vector<16xf32>
        %max3A_205 = arith.maximumf %max3A_199, %get3A_204 : vector<16xf32>
        %add3A_206 = arith.constant 22528 : i32
        %add3A_207 = arith.addi %add3A_206, %add3A_78 : i32
        %get3A_208 = arith.index_cast %add3A_207 : i32 to index
        %get3A_209 = tpu.vector_load %arg4[%get3A_208] {strides = array<i32>} : memref<32768xf32, #tpu.memory_space<vmem>>, vector<16xf32>,
        %get3A_210 = vector.shape_cast %get3A_209 : vector<16xf32> to vector<16xf32>
        %max3A_211 = arith.maximumf %max3A_205, %get3A_210 : vector<16xf32>
        %add3A_212 = arith.constant 23552 : i32
        %add3A_213 = arith.addi %add3A_212, %add3A_78 : i32
        %get3A_214 = arith.index_cast %add3A_213 : i32 to index
        %get3A_215 = tpu.vector_load %arg4[%get3A_214] {strides = array<i32>} : memref<32768xf32, #tpu.memory_space<vmem>>, vector<16xf32>,
        %get3A_216 = vector.shape_cast %get3A_215 : vector<16xf32> to vector<16xf32>
        %max3A_217 = arith.maximumf %max3A_211, %get3A_216 : vector<16xf32>
        %add3A_218 = arith.constant 24576 : i32
        %add3A_219 = arith.addi %add3A_218, %add3A_78 : i32
        %get3A_220 = arith.index_cast %add3A_219 : i32 to index
        %get3A_221 = tpu.vector_load %arg4[%get3A_220] {strides = array<i32>} : memref<32768xf32, #tpu.memory_space<vmem>>, vector<16xf32>,
        %get3A_222 = vector.shape_cast %get3A_221 : vector<16xf32> to vector<16xf32>
        %max3A_223 = arith.maximumf %max3A_217, %get3A_222 : vector<16xf32>
        %add3A_224 = arith.constant 25600 : i32
        %add3A_225 = arith.addi %add3A_224, %add3A_78 : i32
        %get3A_226 = arith.index_cast %add3A_225 : i32 to index
        %get3A_227 = tpu.vector_load %arg4[%get3A_226] {strides = array<i32>} : memref<32768xf32, #tpu.memory_space<vmem>>, vector<16xf32>,
        %get3A_228 = vector.shape_cast %get3A_227 : vector<16xf32> to vector<16xf32>
        %max3A_229 = arith.maximumf %max3A_223, %get3A_228 : vector<16xf32>
        %add3A_230 = arith.constant 26624 : i32
        %add3A_231 = arith.addi %add3A_230, %add3A_78 : i32
        %get3A_232 = arith.index_cast %add3A_231 : i32 to index
        %get3A_233 = tpu.vector_load %arg4[%get3A_232] {strides = array<i32>} : memref<32768xf32, #tpu.memory_space<vmem>>, vector<16xf32>,
        %get3A_234 = vector.shape_cast %get3A_233 : vector<16xf32> to vector<16xf32>
        %max3A_235 = arith.maximumf %max3A_229, %get3A_234 : vector<16xf32>
        %add3A_236 = arith.constant 27648 : i32
        %add3A_237 = arith.addi %add3A_236, %add3A_78 : i32
        %get3A_238 = arith.index_cast %add3A_237 : i32 to index
        %get3A_239 = tpu.vector_load %arg4[%get3A_238] {strides = array<i32>} : memref<32768xf32, #tpu.memory_space<vmem>>, vector<16xf32>,
        %get3A_240 = vector.shape_cast %get3A_239 : vector<16xf32> to vector<16xf32>
        %max3A_241 = arith.maximumf %max3A_235, %get3A_240 : vector<16xf32>
        %add3A_242 = arith.constant 28672 : i32
        %add3A_243 = arith.addi %add3A_242, %add3A_78 : i32
        %get3A_244 = arith.index_cast %add3A_243 : i32 to index
        %get3A_245 = tpu.vector_load %arg4[%get3A_244] {strides = array<i32>} : memref<32768xf32, #tpu.memory_space<vmem>>, vector<16xf32>,
        %get3A_246 = vector.shape_cast %get3A_245 : vector<16xf32> to vector<16xf32>
        %max3A_247 = arith.maximumf %max3A_241, %get3A_246 : vector<16xf32>
        %add3A_248 = arith.constant 29696 : i32
        %add3A_249 = arith.addi %add3A_248, %add3A_78 : i32
        %get3A_250 = arith.index_cast %add3A_249 : i32 to index
        %get3A_251 = tpu.vector_load %arg4[%get3A_250] {strides = array<i32>} : memref<32768xf32, #tpu.memory_space<vmem>>, vector<16xf32>,
        %get3A_252 = vector.shape_cast %get3A_251 : vector<16xf32> to vector<16xf32>
        %max3A_253 = arith.maximumf %max3A_247, %get3A_252 : vector<16xf32>
        %add3A_254 = arith.constant 30720 : i32
        %add3A_255 = arith.addi %add3A_254, %add3A_78 : i32
        %get3A_256 = arith.index_cast %add3A_255 : i32 to index
        %get3A_257 = tpu.vector_load %arg4[%get3A_256] {strides = array<i32>} : memref<32768xf32, #tpu.memory_space<vmem>>, vector<16xf32>,
        %get3A_258 = vector.shape_cast %get3A_257 : vector<16xf32> to vector<16xf32>
        %max3A_259 = arith.maximumf %max3A_253, %get3A_258 : vector<16xf32>
        %add3A_260 = arith.constant 31744 : i32
        %add3A_261 = arith.addi %add3A_260, %add3A_78 : i32
        %get3A_262 = arith.index_cast %add3A_261 : i32 to index
        %get3A_263 = tpu.vector_load %arg4[%get3A_262] {strides = array<i32>} : memref<32768xf32, #tpu.memory_space<vmem>>, vector<16xf32>,
        %get3A_264 = vector.shape_cast %get3A_263 : vector<16xf32> to vector<16xf32>
        %max3A_265 = arith.maximumf %max3A_259, %get3A_264 : vector<16xf32>
        %get3A_266 = arith.index_cast %add3A_78 : i32 to index
        %get3A_267 = tpu.vector_load %arg6[%get3A_266] {strides = array<i32>} : memref<1024xf32, #tpu.memory_space<vmem>>, vector<16xf32>,
        %get3A_268 = vector.shape_cast %get3A_267 : vector<16xf32> to vector<16xf32>
        %max3A_269 = arith.maximumf %get3A_268, %max3A_265 : vector<16xf32>
        %swap3A = arith.index_cast %add3A_78 : i32 to index
        %swap3A_270 = tpu.vector_load %arg6[%swap3A] {strides = array<i32>} : memref<1024xf32, #tpu.memory_space<vmem>>, vector<16xf32>,
        %swap3A_271 = vector.shape_cast %swap3A_270 : vector<16xf32> to vector<16xf32>
        %swap3A_272 = vector.shape_cast %max3A_269 : vector<16xf32> to vector<16xf32>
        tpu.vector_store %arg6[%swap3A], %swap3A_272 {strides = array<i32>} : memref<1024xf32, #tpu.memory_space<vmem>>, vector<16xf32>,
      }
      %scan3A_62 = arith.constant 64 : i32
      %add3A_63 = arith.constant 2 : i32
      %add3A_64 = arith.addi %add3A_49, %add3A_63 : i32
      %lt3A = arith.constant 32 : i32
      %lt3A_65 = arith.cmpi slt, %add3A_64, %lt3A : i32
      %convert_element_type3A = arith.extui %lt3A_65 : i1 to i32
      %cond3A = arith.constant 0 : i32
      %cond3A_66 = arith.cmpi ne, %convert_element_type3A, %cond3A : i32
      scf.if %cond3A_66 {
        %add3A_74 = arith.constant 2 : i32
        %add3A_75 = arith.addi %add3A_49, %add3A_74 : i32
        %mul3A_76 = arith.constant 32768 : i32
        %mul3A_77 = arith.muli %add3A_75, %mul3A_76 : i32
        %add3A_78 = arith.addi %mul3A_27, %mul3A_77 : i32
        %dma_start3A_79 = tpu.memref_slice %arg2[%add3A_78] : memref<33554432xf32, #tpu.memory_space<hbm>> -> memref<32768xf32, #tpu.memory_space<hbm>>
        %dma_start3A_80 = tpu.memref_slice %arg2[%add3A_78] : memref<33554432xf32, #tpu.memory_space<hbm>> -> memref<32768xf32, #tpu.memory_space<hbm>>
        tpu.enqueue_dma source(%dma_start3A_80 : memref<32768xf32, #tpu.memory_space<hbm>>) target(%arg4 : memref<32768xf32, #tpu.memory_space<vmem>>) target_semaphore(%arg7 : memref<!tpu.dma_semaphore, #tpu.memory_space<semaphore_mem>>)
      } else {
      }
      %dma_wait3A_67 = tpu.memref_slice %arg2[%mul3A_27] : memref<33554432xf32, #tpu.memory_space<hbm>> -> memref<32768xf32, #tpu.memory_space<hbm>>
      %dma_wait3A_68 = tpu.memref_slice %arg2[%mul3A_27] : memref<33554432xf32, #tpu.memory_space<hbm>> -> memref<32768xf32, #tpu.memory_space<hbm>>
      tpu.wait_dma2 semaphore(%arg8 : memref<!tpu.dma_semaphore, #tpu.memory_space<semaphore_mem>>) src(%dma_wait3A_68 : memref<32768xf32, #tpu.memory_space<hbm>>) dst(%arg5 : memref<32768xf32, #tpu.memory_space<vmem>>)
      %scan3A_69 = arith.constant 0 : i32
      %scan3A_70 = arith.constant 64 : i32
      %scan3A_71 = arith.addi %scan3A_69, %scan3A_70 : i32
      %scan3A_72 = arith.constant 1 : i32
      scf.for %scan3A_74 = %scan3A_69 to %scan3A_71 step %scan3A_72  : i32 {
        %mul3A_75 = arith.constant 16 : i32
        %mul3A_76 = arith.muli %scan3A_74, %mul3A_75 : i32
        %add3A_77 = arith.constant 0 : i32
        %add3A_78 = arith.addi %add3A_77, %mul3A_76 : i32
        %get3A = arith.index_cast %add3A_78 : i32 to index
        %get3A_79 = tpu.vector_load %arg5[%get3A] {strides = array<i32>} : memref<32768xf32, #tpu.memory_space<vmem>>, vector<16xf32>,
        %get3A_80 = vector.shape_cast %get3A_79 : vector<16xf32> to vector<16xf32>
        %add3A_81 = arith.constant 1024 : i32
        %add3A_82 = arith.addi %add3A_81, %add3A_78 : i32
        %get3A_83 = arith.index_cast %add3A_82 : i32 to index
        %get3A_84 = tpu.vector_load %arg5[%get3A_83] {strides = array<i32>} : memref<32768xf32, #tpu.memory_space<vmem>>, vector<16xf32>,
        %get3A_85 = vector.shape_cast %get3A_84 : vector<16xf32> to vector<16xf32>
        %max3A = arith.maximumf %get3A_80, %get3A_85 : vector<16xf32>
        %add3A_86 = arith.constant 2048 : i32
        %add3A_87 = arith.addi %add3A_86, %add3A_78 : i32
        %get3A_88 = arith.index_cast %add3A_87 : i32 to index
        %get3A_89 = tpu.vector_load %arg5[%get3A_88] {strides = array<i32>} : memref<32768xf32, #tpu.memory_space<vmem>>, vector<16xf32>,
        %get3A_90 = vector.shape_cast %get3A_89 : vector<16xf32> to vector<16xf32>
        %max3A_91 = arith.maximumf %max3A, %get3A_90 : vector<16xf32>
        %add3A_92 = arith.constant 3072 : i32
        %add3A_93 = arith.addi %add3A_92, %add3A_78 : i32
        %get3A_94 = arith.index_cast %add3A_93 : i32 to index
        %get3A_95 = tpu.vector_load %arg5[%get3A_94] {strides = array<i32>} : memref<32768xf32, #tpu.memory_space<vmem>>, vector<16xf32>,
        %get3A_96 = vector.shape_cast %get3A_95 : vector<16xf32> to vector<16xf32>
        %max3A_97 = arith.maximumf %max3A_91, %get3A_96 : vector<16xf32>
        %add3A_98 = arith.constant 4096 : i32
        %add3A_99 = arith.addi %add3A_98, %add3A_78 : i32
        %get3A_100 = arith.index_cast %add3A_99 : i32 to index
        %get3A_101 = tpu.vector_load %arg5[%get3A_100] {strides = array<i32>} : memref<32768xf32, #tpu.memory_space<vmem>>, vector<16xf32>,
        %get3A_102 = vector.shape_cast %get3A_101 : vector<16xf32> to vector<16xf32>
        %max3A_103 = arith.maximumf %max3A_97, %get3A_102 : vector<16xf32>
        %add3A_104 = arith.constant 5120 : i32
        %add3A_105 = arith.addi %add3A_104, %add3A_78 : i32
        %get3A_106 = arith.index_cast %add3A_105 : i32 to index
        %get3A_107 = tpu.vector_load %arg5[%get3A_106] {strides = array<i32>} : memref<32768xf32, #tpu.memory_space<vmem>>, vector<16xf32>,
        %get3A_108 = vector.shape_cast %get3A_107 : vector<16xf32> to vector<16xf32>
        %max3A_109 = arith.maximumf %max3A_103, %get3A_108 : vector<16xf32>
        %add3A_110 = arith.constant 6144 : i32
        %add3A_111 = arith.addi %add3A_110, %add3A_78 : i32
        %get3A_112 = arith.index_cast %add3A_111 : i32 to index
        %get3A_113 = tpu.vector_load %arg5[%get3A_112] {strides = array<i32>} : memref<32768xf32, #tpu.memory_space<vmem>>, vector<16xf32>,
        %get3A_114 = vector.shape_cast %get3A_113 : vector<16xf32> to vector<16xf32>
        %max3A_115 = arith.maximumf %max3A_109, %get3A_114 : vector<16xf32>
        %add3A_116 = arith.constant 7168 : i32
        %add3A_117 = arith.addi %add3A_116, %add3A_78 : i32
        %get3A_118 = arith.index_cast %add3A_117 : i32 to index
        %get3A_119 = tpu.vector_load %arg5[%get3A_118] {strides = array<i32>} : memref<32768xf32, #tpu.memory_space<vmem>>, vector<16xf32>,
        %get3A_120 = vector.shape_cast %get3A_119 : vector<16xf32> to vector<16xf32>
        %max3A_121 = arith.maximumf %max3A_115, %get3A_120 : vector<16xf32>
        %add3A_122 = arith.constant 8192 : i32
        %add3A_123 = arith.addi %add3A_122, %add3A_78 : i32
        %get3A_124 = arith.index_cast %add3A_123 : i32 to index
        %get3A_125 = tpu.vector_load %arg5[%get3A_124] {strides = array<i32>} : memref<32768xf32, #tpu.memory_space<vmem>>, vector<16xf32>,
        %get3A_126 = vector.shape_cast %get3A_125 : vector<16xf32> to vector<16xf32>
        %max3A_127 = arith.maximumf %max3A_121, %get3A_126 : vector<16xf32>
        %add3A_128 = arith.constant 9216 : i32
        %add3A_129 = arith.addi %add3A_128, %add3A_78 : i32
        %get3A_130 = arith.index_cast %add3A_129 : i32 to index
        %get3A_131 = tpu.vector_load %arg5[%get3A_130] {strides = array<i32>} : memref<32768xf32, #tpu.memory_space<vmem>>, vector<16xf32>,
        %get3A_132 = vector.shape_cast %get3A_131 : vector<16xf32> to vector<16xf32>
        %max3A_133 = arith.maximumf %max3A_127, %get3A_132 : vector<16xf32>
        %add3A_134 = arith.constant 10240 : i32
        %add3A_135 = arith.addi %add3A_134, %add3A_78 : i32
        %get3A_136 = arith.index_cast %add3A_135 : i32 to index
        %get3A_137 = tpu.vector_load %arg5[%get3A_136] {strides = array<i32>} : memref<32768xf32, #tpu.memory_space<vmem>>, vector<16xf32>,
        %get3A_138 = vector.shape_cast %get3A_137 : vector<16xf32> to vector<16xf32>
        %max3A_139 = arith.maximumf %max3A_133, %get3A_138 : vector<16xf32>
        %add3A_140 = arith.constant 11264 : i32
        %add3A_141 = arith.addi %add3A_140, %add3A_78 : i32
        %get3A_142 = arith.index_cast %add3A_141 : i32 to index
        %get3A_143 = tpu.vector_load %arg5[%get3A_142] {strides = array<i32>} : memref<32768xf32, #tpu.memory_space<vmem>>, vector<16xf32>,
        %get3A_144 = vector.shape_cast %get3A_143 : vector<16xf32> to vector<16xf32>
        %max3A_145 = arith.maximumf %max3A_139, %get3A_144 : vector<16xf32>
        %add3A_146 = arith.constant 12288 : i32
        %add3A_147 = arith.addi %add3A_146, %add3A_78 : i32
        %get3A_148 = arith.index_cast %add3A_147 : i32 to index
        %get3A_149 = tpu.vector_load %arg5[%get3A_148] {strides = array<i32>} : memref<32768xf32, #tpu.memory_space<vmem>>, vector<16xf32>,
        %get3A_150 = vector.shape_cast %get3A_149 : vector<16xf32> to vector<16xf32>
        %max3A_151 = arith.maximumf %max3A_145, %get3A_150 : vector<16xf32>
        %add3A_152 = arith.constant 13312 : i32
        %add3A_153 = arith.addi %add3A_152, %add3A_78 : i32
        %get3A_154 = arith.index_cast %add3A_153 : i32 to index
        %get3A_155 = tpu.vector_load %arg5[%get3A_154] {strides = array<i32>} : memref<32768xf32, #tpu.memory_space<vmem>>, vector<16xf32>,
        %get3A_156 = vector.shape_cast %get3A_155 : vector<16xf32> to vector<16xf32>
        %max3A_157 = arith.maximumf %max3A_151, %get3A_156 : vector<16xf32>
        %add3A_158 = arith.constant 14336 : i32
        %add3A_159 = arith.addi %add3A_158, %add3A_78 : i32
        %get3A_160 = arith.index_cast %add3A_159 : i32 to index
        %get3A_161 = tpu.vector_load %arg5[%get3A_160] {strides = array<i32>} : memref<32768xf32, #tpu.memory_space<vmem>>, vector<16xf32>,
        %get3A_162 = vector.shape_cast %get3A_161 : vector<16xf32> to vector<16xf32>
        %max3A_163 = arith.maximumf %max3A_157, %get3A_162 : vector<16xf32>
        %add3A_164 = arith.constant 15360 : i32
        %add3A_165 = arith.addi %add3A_164, %add3A_78 : i32
        %get3A_166 = arith.index_cast %add3A_165 : i32 to index
        %get3A_167 = tpu.vector_load %arg5[%get3A_166] {strides = array<i32>} : memref<32768xf32, #tpu.memory_space<vmem>>, vector<16xf32>,
        %get3A_168 = vector.shape_cast %get3A_167 : vector<16xf32> to vector<16xf32>
        %max3A_169 = arith.maximumf %max3A_163, %get3A_168 : vector<16xf32>
        %add3A_170 = arith.constant 16384 : i32
        %add3A_171 = arith.addi %add3A_170, %add3A_78 : i32
        %get3A_172 = arith.index_cast %add3A_171 : i32 to index
        %get3A_173 = tpu.vector_load %arg5[%get3A_172] {strides = array<i32>} : memref<32768xf32, #tpu.memory_space<vmem>>, vector<16xf32>,
        %get3A_174 = vector.shape_cast %get3A_173 : vector<16xf32> to vector<16xf32>
        %max3A_175 = arith.maximumf %max3A_169, %get3A_174 : vector<16xf32>
        %add3A_176 = arith.constant 17408 : i32
        %add3A_177 = arith.addi %add3A_176, %add3A_78 : i32
        %get3A_178 = arith.index_cast %add3A_177 : i32 to index
        %get3A_179 = tpu.vector_load %arg5[%get3A_178] {strides = array<i32>} : memref<32768xf32, #tpu.memory_space<vmem>>, vector<16xf32>,
        %get3A_180 = vector.shape_cast %get3A_179 : vector<16xf32> to vector<16xf32>
        %max3A_181 = arith.maximumf %max3A_175, %get3A_180 : vector<16xf32>
        %add3A_182 = arith.constant 18432 : i32
        %add3A_183 = arith.addi %add3A_182, %add3A_78 : i32
        %get3A_184 = arith.index_cast %add3A_183 : i32 to index
        %get3A_185 = tpu.vector_load %arg5[%get3A_184] {strides = array<i32>} : memref<32768xf32, #tpu.memory_space<vmem>>, vector<16xf32>,
        %get3A_186 = vector.shape_cast %get3A_185 : vector<16xf32> to vector<16xf32>
        %max3A_187 = arith.maximumf %max3A_181, %get3A_186 : vector<16xf32>
        %add3A_188 = arith.constant 19456 : i32
        %add3A_189 = arith.addi %add3A_188, %add3A_78 : i32
        %get3A_190 = arith.index_cast %add3A_189 : i32 to index
        %get3A_191 = tpu.vector_load %arg5[%get3A_190] {strides = array<i32>} : memref<32768xf32, #tpu.memory_space<vmem>>, vector<16xf32>,
        %get3A_192 = vector.shape_cast %get3A_191 : vector<16xf32> to vector<16xf32>
        %max3A_193 = arith.maximumf %max3A_187, %get3A_192 : vector<16xf32>
        %add3A_194 = arith.constant 20480 : i32
        %add3A_195 = arith.addi %add3A_194, %add3A_78 : i32
        %get3A_196 = arith.index_cast %add3A_195 : i32 to index
        %get3A_197 = tpu.vector_load %arg5[%get3A_196] {strides = array<i32>} : memref<32768xf32, #tpu.memory_space<vmem>>, vector<16xf32>,
        %get3A_198 = vector.shape_cast %get3A_197 : vector<16xf32> to vector<16xf32>
        %max3A_199 = arith.maximumf %max3A_193, %get3A_198 : vector<16xf32>
        %add3A_200 = arith.constant 21504 : i32
        %add3A_201 = arith.addi %add3A_200, %add3A_78 : i32
        %get3A_202 = arith.index_cast %add3A_201 : i32 to index
        %get3A_203 = tpu.vector_load %arg5[%get3A_202] {strides = array<i32>} : memref<32768xf32, #tpu.memory_space<vmem>>, vector<16xf32>,
        %get3A_204 = vector.shape_cast %get3A_203 : vector<16xf32> to vector<16xf32>
        %max3A_205 = arith.maximumf %max3A_199, %get3A_204 : vector<16xf32>
        %add3A_206 = arith.constant 22528 : i32
        %add3A_207 = arith.addi %add3A_206, %add3A_78 : i32
        %get3A_208 = arith.index_cast %add3A_207 : i32 to index
        %get3A_209 = tpu.vector_load %arg5[%get3A_208] {strides = array<i32>} : memref<32768xf32, #tpu.memory_space<vmem>>, vector<16xf32>,
        %get3A_210 = vector.shape_cast %get3A_209 : vector<16xf32> to vector<16xf32>
        %max3A_211 = arith.maximumf %max3A_205, %get3A_210 : vector<16xf32>
        %add3A_212 = arith.constant 23552 : i32
        %add3A_213 = arith.addi %add3A_212, %add3A_78 : i32
        %get3A_214 = arith.index_cast %add3A_213 : i32 to index
        %get3A_215 = tpu.vector_load %arg5[%get3A_214] {strides = array<i32>} : memref<32768xf32, #tpu.memory_space<vmem>>, vector<16xf32>,
        %get3A_216 = vector.shape_cast %get3A_215 : vector<16xf32> to vector<16xf32>
        %max3A_217 = arith.maximumf %max3A_211, %get3A_216 : vector<16xf32>
        %add3A_218 = arith.constant 24576 : i32
        %add3A_219 = arith.addi %add3A_218, %add3A_78 : i32
        %get3A_220 = arith.index_cast %add3A_219 : i32 to index
        %get3A_221 = tpu.vector_load %arg5[%get3A_220] {strides = array<i32>} : memref<32768xf32, #tpu.memory_space<vmem>>, vector<16xf32>,
        %get3A_222 = vector.shape_cast %get3A_221 : vector<16xf32> to vector<16xf32>
        %max3A_223 = arith.maximumf %max3A_217, %get3A_222 : vector<16xf32>
        %add3A_224 = arith.constant 25600 : i32
        %add3A_225 = arith.addi %add3A_224, %add3A_78 : i32
        %get3A_226 = arith.index_cast %add3A_225 : i32 to index
        %get3A_227 = tpu.vector_load %arg5[%get3A_226] {strides = array<i32>} : memref<32768xf32, #tpu.memory_space<vmem>>, vector<16xf32>,
        %get3A_228 = vector.shape_cast %get3A_227 : vector<16xf32> to vector<16xf32>
        %max3A_229 = arith.maximumf %max3A_223, %get3A_228 : vector<16xf32>
        %add3A_230 = arith.constant 26624 : i32
        %add3A_231 = arith.addi %add3A_230, %add3A_78 : i32
        %get3A_232 = arith.index_cast %add3A_231 : i32 to index
        %get3A_233 = tpu.vector_load %arg5[%get3A_232] {strides = array<i32>} : memref<32768xf32, #tpu.memory_space<vmem>>, vector<16xf32>,
        %get3A_234 = vector.shape_cast %get3A_233 : vector<16xf32> to vector<16xf32>
        %max3A_235 = arith.maximumf %max3A_229, %get3A_234 : vector<16xf32>
        %add3A_236 = arith.constant 27648 : i32
        %add3A_237 = arith.addi %add3A_236, %add3A_78 : i32
        %get3A_238 = arith.index_cast %add3A_237 : i32 to index
        %get3A_239 = tpu.vector_load %arg5[%get3A_238] {strides = array<i32>} : memref<32768xf32, #tpu.memory_space<vmem>>, vector<16xf32>,
        %get3A_240 = vector.shape_cast %get3A_239 : vector<16xf32> to vector<16xf32>
        %max3A_241 = arith.maximumf %max3A_235, %get3A_240 : vector<16xf32>
        %add3A_242 = arith.constant 28672 : i32
        %add3A_243 = arith.addi %add3A_242, %add3A_78 : i32
        %get3A_244 = arith.index_cast %add3A_243 : i32 to index
        %get3A_245 = tpu.vector_load %arg5[%get3A_244] {strides = array<i32>} : memref<32768xf32, #tpu.memory_space<vmem>>, vector<16xf32>,
        %get3A_246 = vector.shape_cast %get3A_245 : vector<16xf32> to vector<16xf32>
        %max3A_247 = arith.maximumf %max3A_241, %get3A_246 : vector<16xf32>
        %add3A_248 = arith.constant 29696 : i32
        %add3A_249 = arith.addi %add3A_248, %add3A_78 : i32
        %get3A_250 = arith.index_cast %add3A_249 : i32 to index
        %get3A_251 = tpu.vector_load %arg5[%get3A_250] {strides = array<i32>} : memref<32768xf32, #tpu.memory_space<vmem>>, vector<16xf32>,
        %get3A_252 = vector.shape_cast %get3A_251 : vector<16xf32> to vector<16xf32>
        %max3A_253 = arith.maximumf %max3A_247, %get3A_252 : vector<16xf32>
        %add3A_254 = arith.constant 30720 : i32
        %add3A_255 = arith.addi %add3A_254, %add3A_78 : i32
        %get3A_256 = arith.index_cast %add3A_255 : i32 to index
        %get3A_257 = tpu.vector_load %arg5[%get3A_256] {strides = array<i32>} : memref<32768xf32, #tpu.memory_space<vmem>>, vector<16xf32>,
        %get3A_258 = vector.shape_cast %get3A_257 : vector<16xf32> to vector<16xf32>
        %max3A_259 = arith.maximumf %max3A_253, %get3A_258 : vector<16xf32>
        %add3A_260 = arith.constant 31744 : i32
        %add3A_261 = arith.addi %add3A_260, %add3A_78 : i32
        %get3A_262 = arith.index_cast %add3A_261 : i32 to index
        %get3A_263 = tpu.vector_load %arg5[%get3A_262] {strides = array<i32>} : memref<32768xf32, #tpu.memory_space<vmem>>, vector<16xf32>,
        %get3A_264 = vector.shape_cast %get3A_263 : vector<16xf32> to vector<16xf32>
        %max3A_265 = arith.maximumf %max3A_259, %get3A_264 : vector<16xf32>
        %get3A_266 = arith.index_cast %add3A_78 : i32 to index
        %get3A_267 = tpu.vector_load %arg6[%get3A_266] {strides = array<i32>} : memref<1024xf32, #tpu.memory_space<vmem>>, vector<16xf32>,
        %get3A_268 = vector.shape_cast %get3A_267 : vector<16xf32> to vector<16xf32>
        %max3A_269 = arith.maximumf %get3A_268, %max3A_265 : vector<16xf32>
        %swap3A = arith.index_cast %add3A_78 : i32 to index
        %swap3A_270 = tpu.vector_load %arg6[%swap3A] {strides = array<i32>} : memref<1024xf32, #tpu.memory_space<vmem>>, vector<16xf32>,
        %swap3A_271 = vector.shape_cast %swap3A_270 : vector<16xf32> to vector<16xf32>
        %swap3A_272 = vector.shape_cast %max3A_269 : vector<16xf32> to vector<16xf32>
        tpu.vector_store %arg6[%swap3A], %swap3A_272 {strides = array<i32>} : memref<1024xf32, #tpu.memory_space<vmem>>, vector<16xf32>,
      }
      %scan3A_73 = arith.constant 64 : i32
    }
    %scan3A_39 = arith.constant 16 : i32
    %mul3A_40 = arith.constant 16 : i32
    %mul3A_41 = arith.muli %select_n3A, %mul3A_40 : i32
    %add3A_42 = arith.addi %mul3A_41, %rem3A_1 : i32
    %mul3A_43 = arith.constant 1024 : i32
    %mul3A_44 = arith.muli %add3A_42, %mul3A_43 : i32
    "tpu.region"() ({
      %run_scoped3A = tpu.sem_alloc : memref<!tpu.dma_semaphore, #tpu.memory_space<semaphore_mem>>
      %dma_start3A_45 = tpu.memref_slice %arg3[%mul3A_44] : memref<32768xf32, #tpu.memory_space<hbm>> -> memref<1024xf32, #tpu.memory_space<hbm>>
      %dma_start3A_46 = tpu.memref_slice %arg3[%mul3A_44] : memref<32768xf32, #tpu.memory_space<hbm>> -> memref<1024xf32, #tpu.memory_space<hbm>>
      tpu.enqueue_dma source(%arg6 : memref<1024xf32, #tpu.memory_space<vmem>>) target(%dma_start3A_46 : memref<1024xf32, #tpu.memory_space<hbm>>) target_semaphore(%run_scoped3A : memref<!tpu.dma_semaphore, #tpu.memory_space<semaphore_mem>>)
      %dma_wait3A = tpu.memref_slice %arg3[%mul3A_44] : memref<32768xf32, #tpu.memory_space<hbm>> -> memref<1024xf32, #tpu.memory_space<hbm>>
      %dma_wait3A_47 = tpu.memref_slice %arg3[%mul3A_44] : memref<32768xf32, #tpu.memory_space<hbm>> -> memref<1024xf32, #tpu.memory_space<hbm>>
      tpu.wait_dma2 semaphore(%run_scoped3A : memref<!tpu.dma_semaphore, #tpu.memory_space<semaphore_mem>>) src(%arg6 : memref<1024xf32, #tpu.memory_space<vmem>>) dst(%dma_wait3A_47 : memref<1024xf32, #tpu.memory_space<hbm>>)
      tpu.yield
    }) : () -> ()
    return
  }
}

module attributes {stable_mosaic.version = 14 : i64} {
  func.func @_mlp_body(%arg0: memref<16x1024xf32, #tpu.memory_space<vmem>>, %arg1: memref<16x1024xf32, #tpu.memory_space<vmem>>, %arg2: memref<16x3xf32, #tpu.memory_space<vmem>>, %arg3: memref<1024x1024xf32, #tpu.memory_space<vmem>>, %arg4: memref<3x1024xf32, #tpu.memory_space<vmem>>, %arg5: memref<1x1024xf32, #tpu.memory_space<vmem>>, %arg6: memref<1024x256xf32, #tpu.memory_space<vmem>>, %arg7: memref<1x256xf32, #tpu.memory_space<vmem>>, %arg8: memref<16x256xf32, #tpu.memory_space<vmem>>) attributes {dimension_semantics = [], scalar_prefetch = 0 : i64, scratch_operands = 0 : i64, tpu.core_type = #tpu.core_type<tc>} {
    %get3A = arith.constant 0 : index
    %get3A_0 = arith.constant 0 : index
    %get3A_1 = vector.load %arg0[%get3A, %get3A_0] : memref<16x1024xf32, #tpu.memory_space<vmem>>, vector<16x1024xf32>
    %get3A_2 = arith.constant 0 : index
    %get3A_3 = arith.constant 0 : index
    %get3A_4 = vector.load %arg1[%get3A_2, %get3A_3] : memref<16x1024xf32, #tpu.memory_space<vmem>>, vector<16x1024xf32>
    %max3A = arith.maximumf %get3A_1, %get3A_4 : vector<16x1024xf32>
    %get3A_5 = arith.constant 0 : index
    %get3A_6 = arith.constant 0 : index
    %get3A_7 = vector.load %arg3[%get3A_5, %get3A_6] : memref<1024x1024xf32, #tpu.memory_space<vmem>>, vector<1024x1024xf32>
    %dot_general3A = arith.constant dense<0.000000e+00> : vector<16x1024xf32>
    %dot_general3A_8 = tpu.matmul %max3A, %get3A_7, %dot_general3A {dimension_numbers = #tpu.dot_dimension_numbers<[1], [0], [0], [1], [0, 0, 1, 1], [], []>, transpose_lhs_hint = false} : vector<16x1024xf32>, vector<1024x1024xf32>, vector<16x1024xf32> -> vector<16x1024xf32>
    %get3A_9 = arith.constant 0 : index
    %get3A_10 = arith.constant 0 : index
    %get3A_11 = vector.load %arg2[%get3A_9, %get3A_10] : memref<16x3xf32, #tpu.memory_space<vmem>>, vector<16x3xf32>
    %get3A_12 = arith.constant 0 : index
    %get3A_13 = arith.constant 0 : index
    %get3A_14 = vector.load %arg4[%get3A_12, %get3A_13] : memref<3x1024xf32, #tpu.memory_space<vmem>>, vector<3x1024xf32>
    %dot_general3A_15 = arith.constant dense<0.000000e+00> : vector<16x1024xf32>
    %dot_general3A_16 = tpu.matmul %get3A_11, %get3A_14, %dot_general3A_15 {dimension_numbers = #tpu.dot_dimension_numbers<[1], [0], [0], [1], [0, 0, 1, 1], [], []>, transpose_lhs_hint = false} : vector<16x3xf32>, vector<3x1024xf32>, vector<16x1024xf32> -> vector<16x1024xf32>
    %add3A = arith.addf %dot_general3A_8, %dot_general3A_16 : vector<16x1024xf32>
    %get3A_17 = arith.constant 0 : index
    %get3A_18 = arith.constant 0 : index
    %get3A_19 = vector.load %arg5[%get3A_17, %get3A_18] : memref<1x1024xf32, #tpu.memory_space<vmem>>, vector<1x1024xf32>
    %add3A_20 = vector.broadcast %get3A_19 : vector<1x1024xf32> to vector<16x1024xf32>
    %add3A_21 = arith.addf %add3A, %add3A_20 : vector<16x1024xf32>
    %gt3A = arith.constant 0.000000e+00 : f32
    %gt3A_22 = vector.broadcast %gt3A : f32 to vector<16x1024xf32>
    %gt3A_23 = arith.cmpf ogt, %add3A_21, %gt3A_22 : vector<16x1024xf32>
    %mul3A = arith.constant 2.000000e-02 : f32
    %mul3A_24 = vector.broadcast %mul3A : f32 to vector<16x1024xf32>
    %mul3A_25 = arith.mulf %mul3A_24, %add3A_21 : vector<16x1024xf32>
    %select_n3A = arith.select %gt3A_23, %add3A_21, %mul3A_25 : vector<16x1024xi1>, vector<16x1024xf32>
    %get3A_26 = arith.constant 0 : index
    %get3A_27 = arith.constant 0 : index
    %get3A_28 = vector.load %arg6[%get3A_26, %get3A_27] : memref<1024x256xf32, #tpu.memory_space<vmem>>, vector<1024x256xf32>
    %dot_general3A_29 = arith.constant dense<0.000000e+00> : vector<16x256xf32>
    %dot_general3A_30 = tpu.matmul %select_n3A, %get3A_28, %dot_general3A_29 {dimension_numbers = #tpu.dot_dimension_numbers<[1], [0], [0], [1], [0, 0, 1, 1], [], []>, transpose_lhs_hint = false} : vector<16x1024xf32>, vector<1024x256xf32>, vector<16x256xf32> -> vector<16x256xf32>
    %get3A_31 = arith.constant 0 : index
    %get3A_32 = arith.constant 0 : index
    %get3A_33 = vector.load %arg7[%get3A_31, %get3A_32] : memref<1x256xf32, #tpu.memory_space<vmem>>, vector<1x256xf32>
    %add3A_34 = vector.broadcast %get3A_33 : vector<1x256xf32> to vector<16x256xf32>
    %add3A_35 = arith.addf %dot_general3A_30, %add3A_34 : vector<16x256xf32>
    %swap3A = arith.constant 0 : index
    %swap3A_36 = arith.constant 0 : index
    %swap3A_37 = vector.load %arg8[%swap3A, %swap3A_36] : memref<16x256xf32, #tpu.memory_space<vmem>>, vector<16x256xf32>
    tpu.vector_store %arg8[%swap3A, %swap3A_36], %add3A_35 {strides = array<i32>} : memref<16x256xf32, #tpu.memory_space<vmem>>, vector<16x256xf32>,
    return
  }
}

</mosaic_0001>

<sc_bundles>
// kernel: kernel.4.cloned.1.call-start
scs
__scs_entry_jumppad:
0x0: {  	(pc) =	sbr.rel $0x88, $3  }
0x1: {  	(tag) =	ssettag $0x0;
	lr =	simm.s32 $0x1  }
0x2: {  	[smem:$0x3F9B] =	sst lr;
	_ =	strace $0xD0000000  }
0x3: {  	_ = 	snop  }
0x4: {  	_ = 	snop  }
0x5: {  	_ = 	snop  }
0x6: {  	_ = 	snop  }
0x7: {  	_ = 	snop  }
__scs_overlays_trampoline_lowered:
0x8: {  	[smem:$0x3FAA] =	sst s0  }
0x9: {  	[smem:$0x3FAB] =	sst s1  }
0xa: {  	[smem:$0x3FAC] =	sst s2  }
0xb: {  	[smem:$0x3FAD] =	sst s3  }
0xc: {  	[smem:$0x3FAE] =	sst s4  }
0xd: {  	[smem:$0x3FAF] =	sst s5  }
0xe: {  	[smem:$0x3FB0] =	sst s6  }
0xf: {  	[smem:$0x3FB1] =	sst s7  }
0x10: {  	[smem:$0x3FB2] =	sst s8  }
0x11: {  	[smem:$0x3FB3] =	sst s9;
	s0 =	simm.s32 @!p0 $0x0  }
0x12: {  	s1 =	sld [smem:$0x3F99];
	s0 =	simm.s32 @p0 $0x1  }
0x13: {  	[smem:$0x3FB4] =	sst s0;
	s0 =	simm.s32 @!p1 $0x0  }
0x14: {  	s2 =	sld [smem:$0x3F98];
	s0 =	simm.s32 @p1 $0x1  }
0x15: {  	[smem:$0x3FB5] =	sst s0;
	s0 =	simm.s32 @!p2 $0x0  }
0x16: {  	s3 =	sld [smem:$0x3FDB];
	s0 =	simm.s32 @p2 $0x1  }
0x17: {  	s4 =	simm.s32 $0x1BF5;
	[smem:$0x3FB7] =	sst s0  }
0x18: {  	s0 =	sld [smem:$0x3F9A];
	_ =	swait.ge [sflag:s4], $0x0  }
0x19: {  	s7 =	sld [smem:$0x3F9B]  }
0x1a: {  	s8 =	sadd.s32 $0xFFFFE003, lr  }
0x1b: {  	s9 =	sadd.s32 $0xFFFFFEF7, lr;
	s5 =	simm.s32 $0xFFFFFFFF;
	p2 =	slt.u32 s8, $0xFFFFF086  }
0x1c: {  	p1 =	slt.u32 s9, $0xF7A;
	s5 =	simm.s32 @!p2 $0x0  }
0x1d: {  	s5 =	simm.s32 @p1 $0x1;
	p0 =	seq.s32 s7, s2  }
0x1e: {  	s7 =	smul.u32 @!p0 $0xF7A, s2;
	p2 =	seq.s32 @!p0 s5, $0x0  }
0x1f: {  	s9 =	smul.u32 $0xF7A, s1;
	s8 =	simm.s32 @!p0 $0x1BF5;
	p2 =	por !p2, p0  }
0x20: {  	[sflag:s8] =	ssyncset.s32 @!p0 $0xFFFFF086;
	s6 =	sadd.s32 @!p0 s3, s7;
	s7 =	simm.s32 @!p0 $0x108  }
0x21: {  	s3 =	sadd.s32 s3, s9;
	s6 =	sadd.s32 @!p0 $0x88, s6;
	s7 =	simm.s32 @p2 $0x1082  }
0x22: {  	[simem:s7], [sflag:s8] =	dma.local @!p0 [hbm:s6], $0xF7A  }
0x23: {  	s9 =	sor.u32 $0xD0000000, s2;
	s6 =	simm.s32 $0x108;
	_ =	swait.ge @!p0 [sflag:s8], $0x0  }
0x24: {  	s3 =	sadd.s32 $0x88, s3;
	s6 =	simm.s32 @!p1 $0x1082;
	[sflag:s4] =	ssyncset.s32 $0xFFFFF086  }
0x25: {  	[simem:s6], [sflag:s4] =	dma.local [hbm:s3], $0xF7A  }
0x26: {  	[smem:$0x3F9B] =	sst s1;
	(tag) =	ssettag s2;
	_ =	strace s9  }
0x27: {  	s1 =	sld [smem:$0x3FAB]  }
0x28: {  	s2 =	sld [smem:$0x3FAC]  }
0x29: {  	s4 =	sld [smem:$0x3FAE]  }
0x2a: {  	p0 =	seq.s32 s5, $0x0;
	s5 =	sld [smem:$0x3FAF]  }
0x2b: {  	s6 =	sld [smem:$0x3FB0]  }
0x2c: {  	s7 =	sld [smem:$0x3FB1]  }
0x2d: {  	s3 =	simm.s32 $0x108;
	s8 =	sld [smem:$0x3FB2]  }
0x2e: {  	s3 =	simm.s32 @!p0 $0x1082;
	s9 =	sld [smem:$0x3FB3]  }
0x2f: {  	lr =	sadd.s32 s0, s3;
	s0 =	sld [smem:$0x3FAA]  }
0x30: {  	s3 =	sld [smem:$0x3FAD]  }
0x31: {  	[smem:$0x3FB6] =	sst s10  }
0x32: {  	s10 =	sld [smem:$0x3FB4];
	_ =	sdelay $0x3  }
0x33: {  	p0 =	seq.s32 s10, $0x1;
	s10 =	sld [smem:$0x3FB6];
	_ =	sdelay $0x3  }
0x34: {  	[smem:$0x3FB6] =	sst s10  }
0x35: {  	s10 =	sld [smem:$0x3FB5];
	_ =	sdelay $0x3  }
0x36: {  	p1 =	seq.s32 s10, $0x1;
	s10 =	sld [smem:$0x3FB6];
	_ =	sdelay $0x3  }
0x37: {  	[smem:$0x3FB6] =	sst s10  }
0x38: {  	s10 =	sld [smem:$0x3FB7]  }
0x39: {  	_ = 	snop;
	(pc) =	sbr.ind lr, $3  }
0x3a: {  	_ = 	snop  }
0x3b: {  	_ = 	snop  }
0x3c: {  	p2 =	seq.s32 s10, $0x1;
	s10 =	sld [smem:$0x3FB6]  }
0x3d: {  	_ =	shalt  }
0x3e: {  	_ =	shalt  }
0x3f: {  	_ =	shalt  }
0x40: {  	_ =	shalt  }
0x41: {  	_ =	shalt  }
0x42: {  	_ =	shalt  }
0x43: {  	_ =	shalt  }
0x44: {  	_ =	shalt  }
0x45: {  	_ =	shalt  }
0x46: {  	_ =	shalt  }
0x47: {  	_ =	shalt  }
0x48: {  	_ =	shalt  }
0x49: {  	_ =	shalt  }
0x4a: {  	_ =	shalt  }
0x4b: {  	_ =	shalt  }
0x4c: {  	_ =	shalt  }
0x4d: {  	_ =	shalt  }
0x4e: {  	_ =	shalt  }
0x4f: {  	_ =	shalt  }
0x50: {  	_ =	shalt  }
0x51: {  	_ =	shalt  }
0x52: {  	_ =	shalt  }
0x53: {  	_ =	shalt  }
0x54: {  	_ =	shalt  }
0x55: {  	_ =	shalt  }
0x56: {  	_ =	shalt  }
0x57: {  	_ =	shalt  }
0x58: {  	_ =	shalt  }
0x59: {  	_ =	shalt  }
0x5a: {  	_ =	shalt  }
0x5b: {  	_ =	shalt  }
0x5c: {  	_ =	shalt  }
0x5d: {  	_ =	shalt  }
0x5e: {  	_ =	shalt  }
0x5f: {  	_ =	shalt  }
0x60: {  	_ =	shalt  }
0x61: {  	_ =	shalt  }
0x62: {  	_ =	shalt  }
0x63: {  	_ =	shalt  }
0x64: {  	_ =	shalt  }
0x65: {  	_ =	shalt  }
0x66: {  	_ =	shalt  }
0x67: {  	_ =	shalt  }
0x68: {  	_ =	shalt  }
0x69: {  	_ =	shalt  }
0x6a: {  	_ =	shalt  }
0x6b: {  	_ =	shalt  }
0x6c: {  	_ =	shalt  }
0x6d: {  	_ =	shalt  }
0x6e: {  	_ =	shalt  }
0x6f: {  	_ =	shalt  }
0x70: {  	_ =	shalt  }
0x71: {  	_ =	shalt  }
0x72: {  	_ =	shalt  }
0x73: {  	_ =	shalt  }
0x74: {  	_ =	shalt  }
0x75: {  	_ =	shalt  }
0x76: {  	_ =	shalt  }
0x77: {  	_ =	shalt  }
0x78: {  	_ =	shalt  }
0x79: {  	_ =	shalt  }
0x7a: {  	_ =	shalt  }
0x7b: {  	_ =	shalt  }
0x7c: {  	_ =	shalt  }
0x7d: {  	_ =	shalt  }
0x7e: {  	_ =	shalt  }
0x7f: {  	_ =	shalt  }
0x80: {  	_ =	shalt  }
0x81: {  	_ =	shalt  }
0x82: {  	_ =	shalt  }
0x83: {  	_ =	shalt  }
0x84: {  	_ =	shalt  }
0x85: {  	_ =	shalt  }
0x86: {  	_ =	shalt  }
0x87: {  	_ =	shalt  }
.Lfunc_end0:
.L_simem_size_0:
called_computation.1_lowered:
.L_overlay_start_0:
0x88: {  	s2 =	sld [smem:$0x3FD9]  }
0x89: {  	s3 =	sld [smem:$0x3FFE];
	_ =	sdelay $0x1  }
0x8a: {  	s1 =	srdreg.scid  }
0x8b: {  	s0 =	sand.u32 $0x1, s1  }
0x8c: {  	s16 =	sshll.u32 s0, $0xA;
	s2 =	sadd.s32 s3, s2  }
0x8d: {  	s2 =	sadd.s32 s2, s16  }
0x8e: {  	[smem:$0x3FC2] =	sst s2  }
0x8f: {  	_ = 	snop  }
0x90: {  	(tm) =	ssettm $0x1  }
0x91: {  	s17 =	sld [smem:$0x3FFB];
	_ =	sdelay $0x3  }
0x92: {  	_ =	strace s17  }
0x93: {  	s2 =	sld [smem:$0x3FFC];
	_ =	sdelay $0x3  }
0x94: {  	_ =	strace s2  }
0x95: {  	s2 =	sld [smem:$0x3FFD];
	_ =	sdelay $0x3  }
0x96: {  	_ =	strace s2  }
0x97: {  	_ =	strace $0x8FFFFFFF  }
0x98: {  	s18 =	sld [smem:$0x3FDB];
	_ =	sdelay $0x1  }
0x99: {  	s19 =	simm.s32 $_scs_section_size  }
0x9a: {  	s4 =	simm.s32 $_size__tile_overlayer_lowered;
	s5 =	simm.s32 $_tile_overlayer_lowered  }
0x9b: {  	s22 =	simm.s32 $0x1BFF;
	s21 =	sshll.u32 s5, $0x1;
	s2 =	sadd.s32 s19, s18  }
0x9c: {  	s6 =	simm.s32 $0x0;
	s20 =	sshll.u32 s4, $0x1;
	s4 =	sadd.s32 s21, s2  }
0x9d: {  	[timem:s6], [sflag:s22] =	dma.local [hbm:s4], s20  }
0x9e: {  	_ =	swait.ge [sflag:s22], s20  }
0x9f: {  	s3 =	ssub.s32 $0x0, s20;
	[sflag:s22] =	ssyncset.done $0x0  }
0xa0: {  	[sflag:s22] =	ssyncadd.s32 s3;
	_ =	sdelay $0x1  }
0xa1: {  	s23 =	simm.s32 $0x1B8B  }
0xa2: {  	_ =	swait.ge [sflag:s23], $0x1  }
0xa3: {  	[sflag:s23] =	ssyncset.done $0x0  }
0xa4: {  	s25 =	simm.s32 $0x1B8E;
	s24 =	sld [smem:$0x3FFE];
	[sflag:s23] =	ssyncadd.s32 $0xFFFFFFFF  }
0xa5: {  	s26 =	simm.s32 $execute0_lowered;
	[smem:$0x3FD2] =	sst s25  }
0xa6: {  	s4 =	sshll.u32 s26, $0x1;
	_ =	strace $0x80000049;
	[dreg:$0x1] =	wrdreg $0xFFFFFFFF  }
0xa7: {  	s28 =	simm.s32 $_size_execute0_lowered;
	s2 =	sadd.s32 s2, s4;
	[dreg:$0x0] =	wrdreg $0x0  }
0xa8: {  	s4 =	sshll.u32 s28, $0x1;
	[dreg:$0x2] =	wrdreg s2  }
0xa9: {  	[dreg:$0x3] =	wrdreg s4  }
0xaa: {  	[dreg:$0x4] =	wrdreg $0xC0  }
0xab: {  	_ =	task [dreg:s6], $0x5FFFF  }
0xac: {  	[dreg:$0x1] =	wrdreg $0xFFFFFFFF  }
0xad: {  	[dreg:$0x0] =	wrdreg $0x60  }
0xae: {  	[dreg:$0x2] =	wrdreg s24  }
0xaf: {  	[dreg:$0x3] =	wrdreg $0x9  }
0xb0: {  	_ =	task.clear_ibuf [dreg:s6], $0x4FFFF;
	_ =	strace $0x90000049  }
0xb1: {  	s29 =	simm.s32 $0x9;
	_ =	strace $0x8000004B  }
0xb2: {  	_ =	swait.ge [sflag:s29], $0x1  }
0xb3: {  	[sflag:s29] =	ssyncadd.s32 $0xFFFFFFFF  }
0xb4: {  	_ =	strace $0x9000004B  }
0xb5: {  	_ =	sfence  }
0xb6: {  	s30 =	sld [smem:$0x0];
	_ =	sdelay $0x2  }
0xb7: {  	s31 =	sshll.u32 s1, $0xD;
	s1 =	sshrl.u32 s1, $0x2  }
0xb8: {  	s3 =	sand.u32 $0x4000, s31;
	s1 =	sadd.s32 s1, s30  }
0xb9: {  	s0 =	sor.u32 s3, s0;
	s1 =	sshll.u32 s1, $0x11  }
0xba: {  	s0 =	sor.u32 s1, s0  }
0xbb: {  	s0 =	sadd.s32 $0x8F2B, s0  }
0xbc: {  	[sflag:s0] =	ssyncadd.remote.s32 $0x1  }
0xbd: {  	_ =	sfence.sel $0xFFFF  }
0xbe: {  	[dreg:$0x0] =	wrdreg $0xFFFFFFFF;
	(pc) =	sbr.abs _section_cstart, $3  }
0xbf: {  	[dreg:$0x1] =	wrdreg $0xFFFFFFFF  }
0xc0: {  	_ =	task.clear_ibuf [dreg:s6], $0x2FFFF;
	_ =	strace $0x9FFFFFFF  }
0xc1: {  	(tm) =	ssettm $0x7FFFFFFF  }
tec
execute0_lowered:
.L_overlay_start_1:
0x0: {  	(tag) =	ssettag $0x1  }
0x1: {  	s4 =	rddreg [dreg:$0x0]  }
0x2: {  	s0 =	rddreg [dreg:$0x1];
	s2 =	simm.s32 $0x0;
	s1 =	stileid.u32  }
0x3: {  	s3 =	srdreg.scid;
	s12 =	simm.s32 $0x10000;
	s13 =	simm.s32 $0x3  }
0x4: {  	s14 =	simm.s32 $0x0;
	[smem:$0x7FF] =	sst s2;
	s5 =	sshll.u32 s1, $0x1  }
0x5: {  	s6 =	sand.u32 $0x1, s3;
	s3 =	sadd.s32 $0xE00, s4;
	s7 =	sshrl.u32 s1, $0x3  }
0x6: {  	_ =	strace $0x8000004A;
	s5 =	sand.u32 $0xE, s5;
	s8 =	sshll.u32 s7, $0xB  }
0x7: {  	s7 =	sshll.u32 s7, $0x14;
	s5 =	sor.u32 s6, s5;
	s6 =	ssub.s32 $0x2, s6  }
0x8: {  	s8 =	sadd.s32 s8, s4;
	s9 =	sshll.u32 s5, $0x15;
	s30 =	sshrl.u32 s6, $0x1  }
0x9: {  	s10 =	sshll.u32 s5, $0x7;
	s4 =	sor.u32 s7, s9;
	s11 =	ssub.s32 s6, s30  }
0xa: {  	s31 =	sadd.s32 s10, s8;
	s10 =	simm.s32 $0x1;
	s9 =	sshrl.u32 s4, $0x3  }
0xb: {  	s6 =	sor.u32 $0x10000, s4;
	s7 =	sadd.s32 $0x400E00, s31;
	s8 =	smax.u32 s11, $0x1  }
0xc: {  	v0 =	vimm.f32 $-Inf;
	s11 =	simm.s32 $0x2;
	s5 =	sadd.s32 s3, s9;
	s9 =	simm.s32 $0x8000  }
.LBB2_1:
0xd: {  	s15 =	simm.s32 $0x40;
	s16 =	simm.s32 $0x0  }
.LBB2_2:
0xe: {  	p0 =	sne.s32 s15, $0xFC0;
	[tilespmem:s16+$0x10000] =	vst v0;
	s16 =	smov.u32 s15;
	s15 =	sadd.s32 $0x40, s15  }
.Ltmp0:
0xf: {  	(pc) =	sbr.rel @p0 .LBB2_2-.Ltmp0, $2  }
0x10: {  	_ =	sdelay $0x2  }
0x11: {  	s16 =	sshra.s32 s16, $0x2  }
0x12: {  	[tilespmem:s16+$0x10000] =	vst v0;
	s15 =	simm.s32 $0x0;
	s16 =	simm.s32 $0x0  }
0x13: {  	[tilespmem:s15], [sflag:$0x1] =	stream.linear.gather [hbm4b:s5+s15], $0x8000, $0x38;
	[tilespmem:$0x10400] =	vst v63  }
.LBB2_4:
0x14: {  	s17 =	sshll.u32 s16, $0x10  }
0x15: {  	s18 =	sor.u32 s17, s4  }
0x16: {  	s18 =	sshrl.u32 s18, $0x3  }
0x17: {  	s18 =	sadd.s32 s18, s3  }
0x18: {  	s18 =	sadd.s32 $0x1000, s18  }
0x19: {  	[tilespmem:s9], [sflag:$0x2] =	stream.linear.gather [hbm4b:s18+s15], $0x8000, $0x38;
	[tilespmem:$0x10400] =	vst v63  }
0x1a: {  	_ =	swait.ge [sflag:s10], $0x8000  }
0x1b: {  	[sflag:s10] =	ssyncset.done $0x0  }
0x1c: {  	s19 =	sand.u32 $0x3F0, s15;
	[sflag:s10] =	ssyncadd.s32 $0xFFFF8000  }
0x1d: {  	v1 =	vld [tilespmem:s19+$0x400]  }
0x1e: {  	v2 =	vld [tilespmem:s15+$0x0]  }
0x1f: {  	v3 =	vld [tilespmem:s19+$0x800]  }
0x20: {  	v4 =	vld [tilespmem:s19+$0xC00]  }
0x21: {  	v5 =	vld [tilespmem:s19+$0x1000]  }
0x22: {  	v6 =	vld [tilespmem:s19+$0x1400]  }
0x23: {  	v1 =	vmax.f32 v2, v1;
	v2 =	vld [tilespmem:s19+$0x1800]  }
0x24: {  	v1 =	vmax.f32 v1, v3;
	v3 =	vld [tilespmem:s19+$0x1C00]  }
0x25: {  	v49 =	vld [tilespmem:s19+$0x2000];
	v1 =	vmax.f32 v1, v4  }
0x26: {  	v50 =	vld [tilespmem:s19+$0x2400];
	v1 =	vmax.f32 v1, v5  }
0x27: {  	v51 =	vld [tilespmem:s19+$0x2800];
	v1 =	vmax.f32 v1, v6  }
0x28: {  	v1 =	vmax.f32 v1, v2;
	v2 =	vld [tilespmem:s19+$0x2C00]  }
0x29: {  	v1 =	vmax.f32 v1, v3;
	v3 =	vld [tilespmem:s19+$0x3000]  }
0x2a: {  	v52 =	vld [tilespmem:s19+$0x3400];
	v1 =	vmax.f32 v1, v49  }
0x2b: {  	v53 =	vld [tilespmem:s19+$0x3800];
	v1 =	vmax.f32 v1, v50  }
0x2c: {  	v54 =	vld [tilespmem:s19+$0x3C00];
	v1 =	vmax.f32 v1, v51  }
0x2d: {  	v1 =	vmax.f32 v1, v2;
	v2 =	vld [tilespmem:s19+$0x4000]  }
0x2e: {  	v1 =	vmax.f32 v1, v3;
	v3 =	vld [tilespmem:s19+$0x4400]  }
0x2f: {  	v55 =	vld [tilespmem:s19+$0x4800];
	v1 =	vmax.f32 v1, v52  }
0x30: {  	v56 =	vld [tilespmem:s19+$0x4C00];
	v1 =	vmax.f32 v1, v53  }
0x31: {  	v57 =	vld [tilespmem:s19+$0x5000];
	v1 =	vmax.f32 v1, v54  }
0x32: {  	v1 =	vmax.f32 v1, v2;
	v2 =	vld [tilespmem:s19+$0x5400]  }
0x33: {  	v1 =	vmax.f32 v1, v3;
	v3 =	vld [tilespmem:s19+$0x5800]  }
0x34: {  	v58 =	vld [tilespmem:s19+$0x5C00];
	v1 =	vmax.f32 v1, v55  }
0x35: {  	v59 =	vld [tilespmem:s19+$0x6000];
	v1 =	vmax.f32 v1, v56  }
0x36: {  	v60 =	vld [tilespmem:s19+$0x6400];
	v1 =	vmax.f32 v1, v57  }
0x37: {  	v1 =	vmax.f32 v1, v2;
	v2 =	vld [tilespmem:s19+$0x6800]  }
0x38: {  	v1 =	vmax.f32 v1, v3;
	v3 =	vld [tilespmem:s19+$0x6C00]  }
0x39: {  	v61 =	vld [tilespmem:s19+$0x7000];
	v1 =	vmax.f32 v1, v58  }
0x3a: {  	v62 =	vld [tilespmem:s19+$0x7400];
	v1 =	vmax.f32 v1, v59  }
0x3b: {  	v63 =	vld [tilespmem:s19+$0x7800];
	v1 =	vmax.f32 v1, v60  }
0x3c: {  	s18 =	simm.s32 $0x10000;
	v1 =	vmax.f32 v1, v2;
	v2 =	vld [tilespmem:s19+$0x7C00]  }
0x3d: {  	v1 =	vmax.f32 v1, v3;
	v3 =	vld [tilespmem:s18+$0x0]  }
0x3e: {  	v1 =	vmax.f32 v1, v61  }
0x3f: {  	v1 =	vmax.f32 v1, v62  }
0x40: {  	v1 =	vmax.f32 v1, v63  }
0x41: {  	v1 =	vmax.f32 v1, v2  }
0x42: {  	s20 =	simm.s32 $0x10;
	v1 =	vmax.f32 v3, v1  }
0x43: {  	s19 =	sand.u32 $0x3F0, s20;
	[tilespmem:s18+$0x0] =	vst v1  }
0x44: {  	s21 =	simm.s32 $0x20;
	v1 =	vld [tilespmem:s19+$0x400]  }
.LBB2_5:
0x45: {  	p0 =	sne.s32 s21, $0x3F0;
	v2 =	vld [tilespmem:s20+$0x0]  }
0x46: {  	v3 =	vld [tilespmem:s19+$0x800]  }
0x47: {  	v4 =	vld [tilespmem:s19+$0xC00]  }
0x48: {  	v5 =	vld [tilespmem:s19+$0x1000]  }
0x49: {  	v6 =	vld [tilespmem:s19+$0x1400]  }
0x4a: {  	v1 =	vmax.f32 v2, v1;
	v2 =	vld [tilespmem:s19+$0x1800]  }
0x4b: {  	v1 =	vmax.f32 v1, v3;
	v3 =	vld [tilespmem:s19+$0x1C00]  }
0x4c: {  	v1 =	vmax.f32 v1, v4;
	v4 =	vld [tilespmem:s19+$0x2000]  }
0x4d: {  	v1 =	vmax.f32 v1, v5;
	v5 =	vld [tilespmem:s19+$0x2400]  }
0x4e: {  	v1 =	vmax.f32 v1, v6;
	v6 =	vld [tilespmem:s19+$0x2800]  }
0x4f: {  	v1 =	vmax.f32 v1, v2;
	v2 =	vld [tilespmem:s19+$0x2C00]  }
0x50: {  	v1 =	vmax.f32 v1, v3;
	v3 =	vld [tilespmem:s19+$0x3000]  }
0x51: {  	v1 =	vmax.f32 v1, v4;
	v4 =	vld [tilespmem:s19+$0x3400]  }
0x52: {  	v1 =	vmax.f32 v1, v5;
	v5 =	vld [tilespmem:s19+$0x3800]  }
0x53: {  	v1 =	vmax.f32 v1, v6;
	v6 =	vld [tilespmem:s19+$0x3C00]  }
0x54: {  	v1 =	vmax.f32 v1, v2;
	v2 =	vld [tilespmem:s19+$0x4000]  }
0x55: {  	v1 =	vmax.f32 v1, v3;
	v3 =	vld [tilespmem:s19+$0x4400]  }
0x56: {  	v1 =	vmax.f32 v1, v4;
	v4 =	vld [tilespmem:s19+$0x4800]  }
0x57: {  	v1 =	vmax.f32 v1, v5;
	v5 =	vld [tilespmem:s19+$0x4C00]  }
0x58: {  	v1 =	vmax.f32 v1, v6;
	v6 =	vld [tilespmem:s19+$0x5000]  }
0x59: {  	v1 =	vmax.f32 v1, v2;
	v2 =	vld [tilespmem:s19+$0x5400]  }
0x5a: {  	v1 =	vmax.f32 v1, v3;
	v3 =	vld [tilespmem:s19+$0x5800]  }
0x5b: {  	v1 =	vmax.f32 v1, v4;
	v4 =	vld [tilespmem:s19+$0x5C00]  }
0x5c: {  	v1 =	vmax.f32 v1, v5;
	v5 =	vld [tilespmem:s19+$0x6000]  }
0x5d: {  	v1 =	vmax.f32 v1, v6;
	v6 =	vld [tilespmem:s19+$0x6400]  }
0x5e: {  	v1 =	vmax.f32 v1, v2;
	v2 =	vld [tilespmem:s19+$0x6800]  }
0x5f: {  	v1 =	vmax.f32 v1, v3;
	v3 =	vld [tilespmem:s19+$0x6C00]  }
0x60: {  	v1 =	vmax.f32 v1, v4;
	v4 =	vld [tilespmem:s19+$0x7000]  }
0x61: {  	v1 =	vmax.f32 v1, v5;
	v5 =	vld [tilespmem:s19+$0x7400]  }
0x62: {  	v1 =	vmax.f32 v1, v6;
	v6 =	vld [tilespmem:s19+$0x7800]  }
0x63: {  	s18 =	sadd.s32 $0x10, s18;
	v1 =	vmax.f32 v1, v2;
	v2 =	vld [tilespmem:s19+$0x7C00]  }
0x64: {  	v1 =	vmax.f32 v1, v3;
	v3 =	vld [tilespmem:s18+$0x0]  }
0x65: {  	v1 =	vmax.f32 v1, v4  }
0x66: {  	v1 =	vmax.f32 v1, v5  }
.Ltmp1:
0x67: {  	v1 =	vmax.f32 v1, v6;
	(pc) =	sbr.rel @p0 .LBB2_5-.Ltmp1, $4  }
0x68: {  	v1 =	vmax.f32 v1, v2  }
0x69: {  	v1 =	vmax.f32 v3, v1  }
0x6a: {  	s19 =	sand.u32 $0x3F0, s21;
	[tilespmem:s18+$0x0] =	vst v1  }
0x6b: {  	s20 =	sadd.s32 $0x10, s20;
	s21 =	sadd.s32 $0x10, s21;
	v1 =	vld [tilespmem:s19+$0x400]  }
0x6c: {  	v2 =	vld [tilespmem:s20+$0x0]  }
0x6d: {  	v3 =	vld [tilespmem:s19+$0x800]  }
0x6e: {  	v4 =	vld [tilespmem:s19+$0xC00]  }
0x6f: {  	v5 =	vld [tilespmem:s19+$0x1000]  }
0x70: {  	v6 =	vld [tilespmem:s19+$0x1400]  }
0x71: {  	v1 =	vmax.f32 v2, v1;
	v2 =	vld [tilespmem:s19+$0x1800]  }
0x72: {  	v1 =	vmax.f32 v1, v3;
	v3 =	vld [tilespmem:s19+$0x1C00]  }
0x73: {  	v31 =	vld [tilespmem:s19+$0x2000];
	v1 =	vmax.f32 v1, v4  }
0x74: {  	v32 =	vld [tilespmem:s19+$0x2400];
	v1 =	vmax.f32 v1, v5  }
0x75: {  	v33 =	vld [tilespmem:s19+$0x2800];
	v1 =	vmax.f32 v1, v6  }
0x76: {  	v1 =	vmax.f32 v1, v2;
	v2 =	vld [tilespmem:s19+$0x2C00]  }
0x77: {  	v1 =	vmax.f32 v1, v3;
	v3 =	vld [tilespmem:s19+$0x3000]  }
0x78: {  	v34 =	vld [tilespmem:s19+$0x3400];
	v1 =	vmax.f32 v1, v31  }
0x79: {  	v35 =	vld [tilespmem:s19+$0x3800];
	v1 =	vmax.f32 v1, v32  }
0x7a: {  	v36 =	vld [tilespmem:s19+$0x3C00];
	v1 =	vmax.f32 v1, v33  }
0x7b: {  	v1 =	vmax.f32 v1, v2;
	v2 =	vld [tilespmem:s19+$0x4000]  }
0x7c: {  	v1 =	vmax.f32 v1, v3;
	v3 =	vld [tilespmem:s19+$0x4400]  }
0x7d: {  	v37 =	vld [tilespmem:s19+$0x4800];
	v1 =	vmax.f32 v1, v34  }
0x7e: {  	v38 =	vld [tilespmem:s19+$0x4C00];
	v1 =	vmax.f32 v1, v35  }
0x7f: {  	v39 =	vld [tilespmem:s19+$0x5000];
	v1 =	vmax.f32 v1, v36  }
0x80: {  	v1 =	vmax.f32 v1, v2;
	v2 =	vld [tilespmem:s19+$0x5400]  }
0x81: {  	v1 =	vmax.f32 v1, v3;
	v3 =	vld [tilespmem:s19+$0x5800]  }
0x82: {  	v40 =	vld [tilespmem:s19+$0x5C00];
	v1 =	vmax.f32 v1, v37  }
0x83: {  	v41 =	vld [tilespmem:s19+$0x6000];
	v1 =	vmax.f32 v1, v38  }
0x84: {  	v42 =	vld [tilespmem:s19+$0x6400];
	v1 =	vmax.f32 v1, v39  }
0x85: {  	v1 =	vmax.f32 v1, v2;
	v2 =	vld [tilespmem:s19+$0x6800]  }
0x86: {  	v1 =	vmax.f32 v1, v3;
	v3 =	vld [tilespmem:s19+$0x6C00]  }
0x87: {  	v43 =	vld [tilespmem:s19+$0x7000];
	v1 =	vmax.f32 v1, v40  }
0x88: {  	v44 =	vld [tilespmem:s19+$0x7400];
	v1 =	vmax.f32 v1, v41  }
0x89: {  	v45 =	vld [tilespmem:s19+$0x7800];
	v1 =	vmax.f32 v1, v42  }
0x8a: {  	s18 =	sadd.s32 $0x10, s18;
	v1 =	vmax.f32 v1, v2;
	v2 =	vld [tilespmem:s19+$0x7C00]  }
0x8b: {  	v1 =	vmax.f32 v1, v3;
	v3 =	vld [tilespmem:s18+$0x0]  }
0x8c: {  	v1 =	vmax.f32 v1, v43  }
0x8d: {  	v1 =	vmax.f32 v1, v44  }
0x8e: {  	p0 =	seq.s32 s16, $0xF;
	v1 =	vmax.f32 v1, v45  }
0x8f: {  	s17 =	sadd.s32 @!p0 s17, s6;
	v1 =	vmax.f32 v1, v2  }
0x90: {  	s17 =	sshrl.u32 @!p0 s17, $0x3;
	v1 =	vmax.f32 v3, v1  }
0x91: {  	s17 =	sadd.s32 @!p0 s3, s17;
	[tilespmem:s18+$0x0] =	vst v1;
	s18 =	simm.s32 @!p0 $0x0  }
0x92: {  	[tilespmem:s18], [sflag:$0x1] =	stream.linear.gather @!p0 [hbm4b:s17+s18], $0x8000, $0x38;
	[tilespmem:$0x10400] =	vst v63  }
0x93: {  	_ =	swait.ge [sflag:s11], $0x8000  }
0x94: {  	s28 =	simm.s32 $0x0;
	[sflag:s11] =	ssyncset.done $0x0  }
0x95: {  	s29 =	sand.u32 $0x3F0, s28;
	[sflag:s11] =	ssyncadd.s32 $0xFFFF8000  }
0x96: {  	s30 =	simm.s32 $0x8000;
	v1 =	vld [tilespmem:s29+$0x8400]  }
0x97: {  	v2 =	vld [tilespmem:s30+$0x0]  }
0x98: {  	v3 =	vld [tilespmem:s29+$0x8800]  }
0x99: {  	v46 =	vld [tilespmem:s29+$0x8C00]  }
0x9a: {  	v47 =	vld [tilespmem:s29+$0x9000]  }
0x9b: {  	v48 =	vld [tilespmem:s29+$0x9400]  }
0x9c: {  	v1 =	vmax.f32 v2, v1;
	v2 =	vld [tilespmem:s29+$0x9800]  }
0x9d: {  	v1 =	vmax.f32 v1, v3;
	v3 =	vld [tilespmem:s29+$0x9C00]  }
0x9e: {  	v49 =	vld [tilespmem:s29+$0xA000];
	v1 =	vmax.f32 v1, v46  }
0x9f: {  	v50 =	vld [tilespmem:s29+$0xA400];
	v1 =	vmax.f32 v1, v47  }
0xa0: {  	v51 =	vld [tilespmem:s29+$0xA800];
	v1 =	vmax.f32 v1, v48  }
0xa1: {  	v1 =	vmax.f32 v1, v2;
	v2 =	vld [tilespmem:s29+$0xAC00]  }
0xa2: {  	v1 =	vmax.f32 v1, v3;
	v3 =	vld [tilespmem:s29+$0xB000]  }
0xa3: {  	v52 =	vld [tilespmem:s29+$0xB400];
	v1 =	vmax.f32 v1, v49  }
0xa4: {  	v53 =	vld [tilespmem:s29+$0xB800];
	v1 =	vmax.f32 v1, v50  }
0xa5: {  	v54 =	vld [tilespmem:s29+$0xBC00];
	v1 =	vmax.f32 v1, v51  }
0xa6: {  	v1 =	vmax.f32 v1, v2;
	v2 =	vld [tilespmem:s29+$0xC000]  }
0xa7: {  	v1 =	vmax.f32 v1, v3;
	v3 =	vld [tilespmem:s29+$0xC400]  }
0xa8: {  	v55 =	vld [tilespmem:s29+$0xC800];
	v1 =	vmax.f32 v1, v52  }
0xa9: {  	v56 =	vld [tilespmem:s29+$0xCC00];
	v1 =	vmax.f32 v1, v53  }
0xaa: {  	v57 =	vld [tilespmem:s29+$0xD000];
	v1 =	vmax.f32 v1, v54  }
0xab: {  	v1 =	vmax.f32 v1, v2;
	v2 =	vld [tilespmem:s29+$0xD400]  }
0xac: {  	v1 =	vmax.f32 v1, v3;
	v3 =	vld [tilespmem:s29+$0xD800]  }
0xad: {  	v58 =	vld [tilespmem:s29+$0xDC00];
	v1 =	vmax.f32 v1, v55  }
0xae: {  	v59 =	vld [tilespmem:s29+$0xE000];
	v1 =	vmax.f32 v1, v56  }
0xaf: {  	v60 =	vld [tilespmem:s29+$0xE400];
	v1 =	vmax.f32 v1, v57  }
0xb0: {  	v1 =	vmax.f32 v1, v2;
	v2 =	vld [tilespmem:s29+$0xE800]  }
0xb1: {  	v1 =	vmax.f32 v1, v3;
	v3 =	vld [tilespmem:s29+$0xEC00]  }
0xb2: {  	v61 =	vld [tilespmem:s29+$0xF000];
	v1 =	vmax.f32 v1, v58  }
0xb3: {  	v62 =	vld [tilespmem:s29+$0xF400];
	v1 =	vmax.f32 v1, v59  }
0xb4: {  	v63 =	vld [tilespmem:s29+$0xF800];
	v1 =	vmax.f32 v1, v60  }
0xb5: {  	s17 =	simm.s32 $0x10000;
	v1 =	vmax.f32 v1, v2;
	v2 =	vld [tilespmem:s29+$0xFC00]  }
0xb6: {  	v1 =	vmax.f32 v1, v3;
	v3 =	vld [tilespmem:s17+$0x0]  }
0xb7: {  	v1 =	vmax.f32 v1, v61  }
0xb8: {  	v1 =	vmax.f32 v1, v62  }
0xb9: {  	v1 =	vmax.f32 v1, v63  }
0xba: {  	v1 =	vmax.f32 v1, v2  }
0xbb: {  	s31 =	simm.s32 $0x10;
	v1 =	vmax.f32 v3, v1  }
0xbc: {  	s18 =	sand.u32 $0x3F0, s31;
	[tilespmem:s17+$0x0] =	vst v1  }
0xbd: {  	s20 =	simm.s32 $0x20;
	s19 =	simm.s32 $0x8010;
	v1 =	vld [tilespmem:s18+$0x8400]  }
.LBB2_7:
0xbe: {  	p0 =	sne.s32 s20, $0x3F0;
	v2 =	vld [tilespmem:s19+$0x0]  }
0xbf: {  	v3 =	vld [tilespmem:s18+$0x8800]  }
0xc0: {  	v4 =	vld [tilespmem:s18+$0x8C00]  }
0xc1: {  	v5 =	vld [tilespmem:s18+$0x9000]  }
0xc2: {  	v6 =	vld [tilespmem:s18+$0x9400]  }
0xc3: {  	v1 =	vmax.f32 v2, v1;
	v2 =	vld [tilespmem:s18+$0x9800]  }
0xc4: {  	v1 =	vmax.f32 v1, v3;
	v3 =	vld [tilespmem:s18+$0x9C00]  }
0xc5: {  	v1 =	vmax.f32 v1, v4;
	v4 =	vld [tilespmem:s18+$0xA000]  }
0xc6: {  	v1 =	vmax.f32 v1, v5;
	v5 =	vld [tilespmem:s18+$0xA400]  }
0xc7: {  	v1 =	vmax.f32 v1, v6;
	v6 =	vld [tilespmem:s18+$0xA800]  }
0xc8: {  	v1 =	vmax.f32 v1, v2;
	v2 =	vld [tilespmem:s18+$0xAC00]  }
0xc9: {  	v1 =	vmax.f32 v1, v3;
	v3 =	vld [tilespmem:s18+$0xB000]  }
0xca: {  	v1 =	vmax.f32 v1, v4;
	v4 =	vld [tilespmem:s18+$0xB400]  }
0xcb: {  	v1 =	vmax.f32 v1, v5;
	v5 =	vld [tilespmem:s18+$0xB800]  }
0xcc: {  	v1 =	vmax.f32 v1, v6;
	v6 =	vld [tilespmem:s18+$0xBC00]  }
0xcd: {  	v1 =	vmax.f32 v1, v2;
	v2 =	vld [tilespmem:s18+$0xC000]  }
0xce: {  	v1 =	vmax.f32 v1, v3;
	v3 =	vld [tilespmem:s18+$0xC400]  }
0xcf: {  	v1 =	vmax.f32 v1, v4;
	v4 =	vld [tilespmem:s18+$0xC800]  }
0xd0: {  	v1 =	vmax.f32 v1, v5;
	v5 =	vld [tilespmem:s18+$0xCC00]  }
0xd1: {  	v1 =	vmax.f32 v1, v6;
	v6 =	vld [tilespmem:s18+$0xD000]  }
0xd2: {  	v1 =	vmax.f32 v1, v2;
	v2 =	vld [tilespmem:s18+$0xD400]  }
0xd3: {  	v1 =	vmax.f32 v1, v3;
	v3 =	vld [tilespmem:s18+$0xD800]  }
0xd4: {  	v1 =	vmax.f32 v1, v4;
	v4 =	vld [tilespmem:s18+$0xDC00]  }
0xd5: {  	v1 =	vmax.f32 v1, v5;
	v5 =	vld [tilespmem:s18+$0xE000]  }
0xd6: {  	v1 =	vmax.f32 v1, v6;
	v6 =	vld [tilespmem:s18+$0xE400]  }
0xd7: {  	v1 =	vmax.f32 v1, v2;
	v2 =	vld [tilespmem:s18+$0xE800]  }
0xd8: {  	v1 =	vmax.f32 v1, v3;
	v3 =	vld [tilespmem:s18+$0xEC00]  }
0xd9: {  	v1 =	vmax.f32 v1, v4;
	v4 =	vld [tilespmem:s18+$0xF000]  }
0xda: {  	v1 =	vmax.f32 v1, v5;
	v5 =	vld [tilespmem:s18+$0xF400]  }
0xdb: {  	v1 =	vmax.f32 v1, v6;
	v6 =	vld [tilespmem:s18+$0xF800]  }
0xdc: {  	s17 =	sadd.s32 $0x10, s17;
	v1 =	vmax.f32 v1, v2;
	v2 =	vld [tilespmem:s18+$0xFC00]  }
0xdd: {  	v1 =	vmax.f32 v1, v3;
	v3 =	vld [tilespmem:s17+$0x0]  }
0xde: {  	v1 =	vmax.f32 v1, v4  }
0xdf: {  	v1 =	vmax.f32 v1, v5  }
.Ltmp2:
0xe0: {  	v1 =	vmax.f32 v1, v6;
	(pc) =	sbr.rel @p0 .LBB2_7-.Ltmp2, $4  }
0xe1: {  	v1 =	vmax.f32 v1, v2  }
0xe2: {  	v1 =	vmax.f32 v3, v1  }
0xe3: {  	s18 =	sand.u32 $0x3F0, s20;
	[tilespmem:s17+$0x0] =	vst v1  }
0xe4: {  	s19 =	sadd.s32 $0x10, s19;
	s20 =	sadd.s32 $0x10, s20;
	v1 =	vld [tilespmem:s18+$0x8400]  }
0xe5: {  	v2 =	vld [tilespmem:s19+$0x0]  }
0xe6: {  	v3 =	vld [tilespmem:s18+$0x8800]  }
0xe7: {  	v4 =	vld [tilespmem:s18+$0x8C00]  }
0xe8: {  	v5 =	vld [tilespmem:s18+$0x9000]  }
0xe9: {  	v6 =	vld [tilespmem:s18+$0x9400]  }
0xea: {  	v1 =	vmax.f32 v2, v1;
	v2 =	vld [tilespmem:s18+$0x9800]  }
0xeb: {  	v1 =	vmax.f32 v1, v3;
	v3 =	vld [tilespmem:s18+$0x9C00]  }
0xec: {  	v49 =	vld [tilespmem:s18+$0xA000];
	v1 =	vmax.f32 v1, v4  }
0xed: {  	v50 =	vld [tilespmem:s18+$0xA400];
	v1 =	vmax.f32 v1, v5  }
0xee: {  	v51 =	vld [tilespmem:s18+$0xA800];
	v1 =	vmax.f32 v1, v6  }
0xef: {  	v1 =	vmax.f32 v1, v2;
	v2 =	vld [tilespmem:s18+$0xAC00]  }
0xf0: {  	v1 =	vmax.f32 v1, v3;
	v3 =	vld [tilespmem:s18+$0xB000]  }
0xf1: {  	v52 =	vld [tilespmem:s18+$0xB400];
	v1 =	vmax.f32 v1, v49  }
0xf2: {  	v53 =	vld [tilespmem:s18+$0xB800];
	v1 =	vmax.f32 v1, v50  }
0xf3: {  	v54 =	vld [tilespmem:s18+$0xBC00];
	v1 =	vmax.f32 v1, v51  }
0xf4: {  	v1 =	vmax.f32 v1, v2;
	v2 =	vld [tilespmem:s18+$0xC000]  }
0xf5: {  	v1 =	vmax.f32 v1, v3;
	v3 =	vld [tilespmem:s18+$0xC400]  }
0xf6: {  	v55 =	vld [tilespmem:s18+$0xC800];
	v1 =	vmax.f32 v1, v52  }
0xf7: {  	v56 =	vld [tilespmem:s18+$0xCC00];
	v1 =	vmax.f32 v1, v53  }
0xf8: {  	v57 =	vld [tilespmem:s18+$0xD000];
	v1 =	vmax.f32 v1, v54  }
0xf9: {  	v1 =	vmax.f32 v1, v2;
	v2 =	vld [tilespmem:s18+$0xD400]  }
0xfa: {  	v1 =	vmax.f32 v1, v3;
	v3 =	vld [tilespmem:s18+$0xD800]  }
0xfb: {  	v58 =	vld [tilespmem:s18+$0xDC00];
	v1 =	vmax.f32 v1, v55  }
0xfc: {  	v59 =	vld [tilespmem:s18+$0xE000];
	v1 =	vmax.f32 v1, v56  }
0xfd: {  	v60 =	vld [tilespmem:s18+$0xE400];
	v1 =	vmax.f32 v1, v57  }
0xfe: {  	v1 =	vmax.f32 v1, v2;
	v2 =	vld [tilespmem:s18+$0xE800]  }
0xff: {  	v1 =	vmax.f32 v1, v3;
	v3 =	vld [tilespmem:s18+$0xEC00]  }
0x100: {  	v61 =	vld [tilespmem:s18+$0xF000];
	v1 =	vmax.f32 v1, v58  }
0x101: {  	v62 =	vld [tilespmem:s18+$0xF400];
	v1 =	vmax.f32 v1, v59  }
0x102: {  	v63 =	vld [tilespmem:s18+$0xF800];
	v1 =	vmax.f32 v1, v60  }
0x103: {  	s17 =	sadd.s32 $0x10, s17;
	v1 =	vmax.f32 v1, v2;
	v2 =	vld [tilespmem:s18+$0xFC00]  }
0x104: {  	s16 =	sadd.s32 $0x1, s16;
	v1 =	vmax.f32 v1, v3;
	v3 =	vld [tilespmem:s17+$0x0]  }
0x105: {  	p0 =	sne.s32 s16, $0x10;
	v1 =	vmax.f32 v1, v61  }
.Ltmp3:
0x106: {  	v1 =	vmax.f32 v1, v62;
	(pc) =	sbr.rel @p0 .LBB2_4-.Ltmp3, $4  }
0x107: {  	v1 =	vmax.f32 v1, v63  }
0x108: {  	v1 =	vmax.f32 v1, v2  }
0x109: {  	v1 =	vmax.f32 v3, v1  }
0x10a: {  	[tilespmem:s17+$0x0] =	vst v1  }
0x10b: {  	s14 =	sadd.s32 $0x1, s14  }
0x10c: {  	p0 =	sne.s32 s14, s8  }
.Ltmp4:
0x10d: {  	_ = 	snop;
	(pc) =	sbr.rel @p0 .LBB2_1-.Ltmp4, $4  }
0x10e: {  	[hbm4b:s7+s2] =	stream.linear.scatter [tilespmem:s12], [sflag:$0x3], $0x400, $0x38;
	[tilespmem:$0x10400] =	vst v63  }
0x10f: {  	_ =	swait.ge [sflag:s13], $0x400  }
0x110: {  	[sflag:s13] =	ssyncset.done $0x0  }
0x111: {  	[sflag:s13] =	ssyncadd.s32 $0xFFFFFC00  }
0x112: {  	_ =	sfence.sel $0x180000  }
0x113: {  	[bflag:$0x0] =	sbarrier.arrive $0xFFFF  }
0x114: {  	p0 =	sne.s32 s1, $0x0;
	_ =	strace $0x9000004A  }
0x115: {  	s0 =	sadd.s32 @!p0 $0x100000, s0;
	[bflag:$0x2] =	sbarrier.arrive $0xFFFF  }
0x116: {  	[sflag:s0] =	ssyncadd.tile.s32 @!p0 $0x1;
	_ =	shalt  }
.Lfunc_end2:
_tile_overlayer_lowered:
.L_overlay_start_2:
0x117: {  	(tag) =	ssettag $0x2  }
0x118: {  	s0 =	rddreg [dreg:$0x0];
	s2 =	stileid.u32  }
0x119: {  	s1 =	rddreg [dreg:$0x1];
	p0 =	sne.s32 s2, $0x0  }
0x11a: {  	s3 =	rddreg [dreg:$0x2];
	[bflag:$0x3] =	sbarrier.arrive $0xFFFF;
	s2 =	simm.s32 @!p0 $0x1C03  }
0x11b: {  	[timem:s3], [sflag:s2] =	dma.local @!p0 [hbm:s0], s1  }
0x11c: {  	s0 =	simm.s32 @!p0 $0x3  }
0x11d: {  	_ =	swait.ge @!p0 [sflag:s0], s1  }
0x11e: {  	s1 =	ssub.s32 @!p0 $0x0, s1;
	[sflag:s0] =	ssyncset.done @!p0 $0x0  }
0x11f: {  	[sflag:s0] =	ssyncadd.s32 @!p0 s1  }
0x120: {  	[bflag:$0x3] =	sbarrier.arrive $0xFFFF  }
0x121: {  	_ =	shalt  }

// kernel: sparse-core-data-format-call.cloned.1.call-start
scs
called_computation_lowered:
.L_overlay_start_0:
0x0: {  	s2 =	sld [smem:$0x3FD9]  }
0x1: {  	s3 =	sld [smem:$0x3FFE];
	_ =	sdelay $0x1  }
0x2: {  	s1 =	srdreg.scid  }
0x3: {  	s0 =	sand.u32 $0x1, s1  }
0x4: {  	s18 =	sshll.u32 s0, $0xA;
	s2 =	sadd.s32 s3, s2  }
0x5: {  	s2 =	sadd.s32 s2, s18  }
0x6: {  	[smem:$0x3FC2] =	sst s2  }
0x7: {  	_ = 	snop  }
0x8: {  	s2 =	sld [smem:$0x3FC9];
	(tm) =	ssettm $0x1  }
0x9: {  	s19 =	sld [smem:$0x3FFB];
	_ =	sdelay $0x3  }
0xa: {  	_ =	strace s19  }
0xb: {  	s3 =	sld [smem:$0x3FFC];
	_ =	sdelay $0x3  }
0xc: {  	_ =	strace s3  }
0xd: {  	s3 =	sld [smem:$0x3FFD];
	_ =	sdelay $0x3  }
0xe: {  	_ =	strace s3  }
0xf: {  	_ =	strace $0x8FFFFFFF  }
0x10: {  	s20 =	sld [smem:$0x3FDB];
	_ =	sdelay $0x1  }
0x11: {  	s4 =	simm.s32 $_scs_section_size  }
0x12: {  	s5 =	simm.s32 $_size__tile_overlayer_lowered;
	s6 =	simm.s32 $_tile_overlayer_lowered  }
0x13: {  	s23 =	simm.s32 $0x1BFF;
	s22 =	sshll.u32 s6, $0x1;
	s3 =	sadd.s32 s4, s20  }
0x14: {  	s7 =	simm.s32 $0x0;
	s21 =	sshll.u32 s5, $0x1;
	s5 =	sadd.s32 s22, s3  }
0x15: {  	[timem:s7], [sflag:s23] =	dma.local [hbm:s5], s21  }
0x16: {  	_ =	swait.ge [sflag:s23], s21  }
0x17: {  	s4 =	ssub.s32 $0x0, s21;
	[sflag:s23] =	ssyncset.done $0x0  }
0x18: {  	[sflag:s23] =	ssyncadd.s32 s4;
	_ =	sdelay $0x1  }
0x19: {  	s24 =	simm.s32 $0x1B8B  }
0x1a: {  	_ =	swait.ge [sflag:s24], $0x1  }
0x1b: {  	[sflag:s24] =	ssyncset.done $0x0  }
0x1c: {  	s26 =	simm.s32 $0x1B8E;
	s25 =	sld [smem:$0x3FFE];
	[sflag:s24] =	ssyncadd.s32 $0xFFFFFFFF  }
0x1d: {  	s27 =	simm.s32 $execute0_lowered;
	[smem:$0x3FD2] =	sst s26  }
0x1e: {  	s5 =	sshll.u32 s27, $0x1;
	_ =	strace $0x80000046;
	[dreg:$0x1] =	wrdreg $0xFFFFFFFF  }
0x1f: {  	s28 =	simm.s32 $_size_execute0_lowered;
	s3 =	sadd.s32 s3, s5;
	[dreg:$0x0] =	wrdreg $0x0  }
0x20: {  	s5 =	sshll.u32 s28, $0x1;
	[dreg:$0x2] =	wrdreg s3  }
0x21: {  	[dreg:$0x3] =	wrdreg s5  }
0x22: {  	[dreg:$0x4] =	wrdreg $0xC0  }
0x23: {  	_ =	task [dreg:s7], $0x5FFFF  }
0x24: {  	[dreg:$0x1] =	wrdreg $0xFFFFFFFF  }
0x25: {  	[dreg:$0x0] =	wrdreg $0x60  }
0x26: {  	[dreg:$0x2] =	wrdreg s2  }
0x27: {  	[dreg:$0x3] =	wrdreg s25  }
0x28: {  	[dreg:$0x4] =	wrdreg $0x9  }
0x29: {  	_ =	task.clear_ibuf [dreg:s7], $0x5FFFF;
	_ =	strace $0x90000046  }
0x2a: {  	s29 =	simm.s32 $0x9;
	_ =	strace $0x80000048  }
0x2b: {  	_ =	swait.ge [sflag:s29], $0x1  }
0x2c: {  	[sflag:s29] =	ssyncadd.s32 $0xFFFFFFFF  }
0x2d: {  	_ =	strace $0x90000048  }
0x2e: {  	_ =	sfence  }
0x2f: {  	s30 =	sld [smem:$0x0];
	_ =	sdelay $0x2  }
0x30: {  	s31 =	sshll.u32 s1, $0xD;
	s1 =	sshrl.u32 s1, $0x2  }
0x31: {  	s3 =	sand.u32 $0x4000, s31;
	s1 =	sadd.s32 s1, s30  }
0x32: {  	s0 =	sor.u32 s3, s0;
	s1 =	sshll.u32 s1, $0x11  }
0x33: {  	s0 =	sor.u32 s1, s0  }
0x34: {  	s0 =	sadd.s32 $0x8F2B, s0  }
0x35: {  	[sflag:s0] =	ssyncadd.remote.s32 $0x1  }
0x36: {  	_ =	sfence.sel $0xFFFF  }
0x37: {  	[dreg:$0x0] =	wrdreg $0xFFFFFFFF;
	(pc) =	sbr.abs _section_cstart, $3  }
0x38: {  	[dreg:$0x1] =	wrdreg $0xFFFFFFFF  }
0x39: {  	_ =	task.clear_ibuf [dreg:s7], $0x2FFFF;
	_ =	strace $0x9FFFFFFF  }
0x3a: {  	(tm) =	ssettm $0x7FFFFFFF  }
0x3b: {  	_ =	shalt  }
tec
execute0_lowered:
.L_overlay_start_1:
0x0: {  	(tag) =	ssettag $0x1  }
0x1: {  	s0 =	srdreg.scid  }
0x2: {  	s1 =	sshll.u32 s0, $0x4  }
0x3: {  	s2 =	rddreg [dreg:$0x0];
	s0 =	stileid.u32;
	s1 =	sand.u32 $0x10, s1  }
0x4: {  	s4 =	rddreg [dreg:$0x1];
	s7 =	simm.s32 $0x1;
	s1 =	sor.u32 s0, s1  }
0x5: {  	s8 =	simm.s32 $0x2;
	s9 =	simm.s32 $0x0;
	s3 =	sshll.u32 s1, $0x1  }
0x6: {  	s12 =	simm.s32 $0x0;
	s11 =	simm.s32 $0x0;
	s6 =	ssub.s32 $0x1000, s3  }
.Ltmp0:
0x7: {  	s4 =	sadd.s32 $0xE00, s4;
	s5 =	sand.u32 $0x3E, s6;
	(pc) =	sbr.rel .LBB1_1-.Ltmp0, $4  }
0x8: {  	s1 =	rddreg [dreg:$0x2];
	_ =	strace $0x80000047;
	p0 =	sne.s32 s5, $0x0  }
0x9: {  	s6 =	sshrl.u32 s6, $0x6;
	s5 =	simm.s32 $0x1;
	s7 =	simm.s32 @!p0 $0x0  }
0xa: {  	s10 =	smov.u32 s3;
	[sflag:s5] =	ssyncpa.u1 $0x0;
	s6 =	sadd.s32 s7, s6  }
0xb: {  	[sflag:s8] =	ssyncpa.u1 $0x0;
	s8 =	simm.s32 $0x0;
	s7 =	sadd.s32 $0x1, s6  }
.LBB1_9:
0xc: {  	s14 =	sadd.s32 $0x40, s10  }
0xd: {  	p1 =	sgt.s32 s14, $0xFFF  }
0xe: {  	s14 =	smov.u32 @p1 s3;
	p1 =	sne.s32 s11, s7  }
.Ltmp1:
0xf: {  	p0 =	slt.u32 s11, $0x2;
	(pc) =	sbr.rel @!p1 .LBB1_10-.Ltmp1, $4  }
0x10: {  	s13 =	simm.s32 @!p0 $0x2  }
0x11: {  	s15 =	sadd.s32 $0x1, s11;
	_ =	swait.ge @!p0 [sflag:s13], $0x4000  }
0x12: {  	s12 =	smov.u32 s10;
	s9 =	sadd.s32 $0x4000, s9;
	[sflag:s13] =	ssyncset.done @!p0 $0x0  }
0x13: {  	s11 =	smov.u32 s15;
	s10 =	smov.u32 s14;
	[sflag:s13] =	ssyncadd.s32 @!p0 $0xFFFFC000  }
.LBB1_1:
0x14: {  	p0 =	sge.u32 s11, s6  }
0x15: {  	s13 =	sxor.u32 @!p0 $0xFFFFFFFF, s11  }
0x16: {  	s31 =	sadd.s32 $0xFFFFFFFF, s11;
	s14 =	sshll.u32 @!p0 s10, $0xA;
	s13 =	sshll.u32 @!p0 s13, $0xE  }
0x17: {  	s15 =	simm.s32 @!p0 $0x0;
	s14 =	sadd.s32 @!p0 s2, s14;
	s13 =	sand.u32 @!p0 $0x4000, s13  }
0x18: {  	[tilespmem:s13], [sflag:$0x1] =	stream.linear.gather @!p0 [hbm4b:s14+s15], $0x4000, $0x38;
	[tilespmem:$0x10000] =	vst v63  }
0x19: {  	p0 =	sge.u32 s31, s6  }
.Ltmp2:
0x1a: {  	_ = 	snop;
	(pc) =	sbr.rel @p0 .LBB1_9-.Ltmp2, $1  }
0x1b: {  	_ =	sdelay $0x3  }
0x1c: {  	s13 =	sshll.u32 s9, $0x2  }
0x1d: {  	_ =	swait.ge [sflag:s5], $0x4000;
	s14 =	sshll.u32 s11, $0xE;
	s16 =	simm.s32 $0x0  }
0x1e: {  	p1 =	por $0x1, $0x1;
	s13 =	sand.u32 $0x10000, s13;
	[sflag:s5] =	ssyncset.done $0x0  }
0x1f: {  	s14 =	sand.u32 $0x4000, s14;
	s15 =	sshrl.u32 s13, $0x2;
	[sflag:s5] =	ssyncadd.s32 $0xFFFFC000  }
0x20: {  	s13 =	sor.u32 $0x8000, s14;
	s14 =	sadd.s32 $0x8040, s15;
	s15 =	sadd.s32 $0x40, s15  }
.LBB1_3:
0x21: {  	s16 =	sshll.u32 s16, $0x2  }
0x22: {  	p0 =	por p1, p1;
	s17 =	sshra.s32 s16, $0x2  }
0x23: {  	s18 =	simm.s32 $0x0;
	s16 =	sadd.s32 s17, s14;
	s17 =	sadd.s32 s17, s15  }
.LBB1_4:
0x24: {  	v0 =	vmov s17;
	_ =	sdelay $0x3  }
0x25: {  	s20 =	simm.s32 $0x0  }
0x26: {  	v6 =	vld.idx.msk [tilespmem:v0+s20+$0x30 ss:$0x1], $0xffff  }
0x27: {  	v7 =	vld.idx.msk [tilespmem:v0+s20+$0xFFFFFFC0 ss:$0x1], $0xffff  }
0x28: {  	v5 =	vld.idx.msk [tilespmem:v0+s20+$0xFFFFFFD0 ss:$0x1], $0xffff  }
0x29: {  	v4 =	vld.idx.msk [tilespmem:v0+s20+$0xFFFFFFE0 ss:$0x1], $0xffff  }
0x2a: {  	v3 =	vld.idx.msk [tilespmem:v0+s20+$0xFFFFFFF0 ss:$0x1], $0xffff  }
0x2b: {  	v1 =	vld.idx.msk [tilespmem:v0+s20+$0x0 ss:$0x1], $0xffff  }
0x2c: {  	v2 =	vld.idx.msk [tilespmem:v0+s20+$0x10 ss:$0x1], $0xffff;
	[tilespmem:s16+$0x30] =	vst v6  }
0x2d: {  	s19 =	simm.s32 $0x80;
	s21 =	simm.s32 $0x400;
	[tilespmem:s16+$0xFFFFFFC0] =	vst v7;
	v6 =	vld.idx.msk [tilespmem:v0+s20+$0x20 ss:$0x1], $0xffff;
	s20 =	smov.u32 s16  }
.LBB1_5:
0x2e: {  	p1 =	sne.s32 s21, $0xE00;
	v7 =	vld.idx.msk [tilespmem:v0+s19+$0x30 ss:$0x1], $0xffff;
	[tilespmem:s20+$0xFFFFFFD0] =	vst v5  }
0x2f: {  	v8 =	vld.idx.msk [tilespmem:v0+s19+$0xFFFFFFC0 ss:$0x1], $0xffff;
	[tilespmem:s20+$0xFFFFFFE0] =	vst v4  }
0x30: {  	v5 =	vld.idx.msk [tilespmem:v0+s19+$0xFFFFFFD0 ss:$0x1], $0xffff;
	[tilespmem:s20+$0xFFFFFFF0] =	vst v3  }
.Ltmp3:
0x31: {  	v4 =	vld.idx.msk [tilespmem:v0+s19+$0xFFFFFFE0 ss:$0x1], $0xffff;
	[tilespmem:s20+$0x0] =	vst v1;
	(pc) =	sbr.rel @p1 .LBB1_5-.Ltmp3, $4  }
0x32: {  	v3 =	vld.idx.msk [tilespmem:v0+s19+$0xFFFFFFF0 ss:$0x1], $0xffff;
	[tilespmem:s20+$0x10] =	vst v2  }
0x33: {  	v1 =	vld.idx.msk [tilespmem:v0+s19+$0x0 ss:$0x1], $0xffff;
	[tilespmem:s20+$0x20] =	vst v6;
	s20 =	sadd.s32 $0x400, s20  }
0x34: {  	v2 =	vld.idx.msk [tilespmem:v0+s19+$0x10 ss:$0x1], $0xffff;
	[tilespmem:s20+$0x30] =	vst v7  }
0x35: {  	[tilespmem:s20+$0xFFFFFFC0] =	vst v8;
	v6 =	vld.idx.msk [tilespmem:v0+s19+$0x20 ss:$0x1], $0xffff;
	s19 =	sshra.s32 s21, $0x2;
	s21 =	sadd.s32 $0x200, s21  }
0x36: {  	_ =	sdelay $0x2  }
0x37: {  	[tilespmem:s20+$0xFFFFFFD0] =	vst v5  }
0x38: {  	v56 =	vld.idx.msk [tilespmem:v0+s19+$0x30 ss:$0x1], $0xffff;
	[tilespmem:s20+$0xFFFFFFE0] =	vst v4  }
0x39: {  	v57 =	vld.idx.msk [tilespmem:v0+s19+$0xFFFFFFC0 ss:$0x1], $0xffff;
	[tilespmem:s20+$0xFFFFFFF0] =	vst v3  }
0x3a: {  	v58 =	vld.idx.msk [tilespmem:v0+s19+$0xFFFFFFD0 ss:$0x1], $0xffff;
	[tilespmem:s20+$0x0] =	vst v1  }
0x3b: {  	v59 =	vld.idx.msk [tilespmem:v0+s19+$0xFFFFFFE0 ss:$0x1], $0xffff;
	[tilespmem:s20+$0x10] =	vst v2  }
0x3c: {  	v60 =	vld.idx.msk [tilespmem:v0+s19+$0xFFFFFFF0 ss:$0x1], $0xffff;
	s31 =	sadd.s32 $0x400, s20;
	[tilespmem:s20+$0x20] =	vst v6  }
0x3d: {  	v61 =	vld.idx.msk [tilespmem:v0+s19+$0x0 ss:$0x1], $0xffff;
	[tilespmem:s31+$0x30] =	vst v56  }
0x3e: {  	v62 =	vld.idx.msk [tilespmem:v0+s19+$0x10 ss:$0x1], $0xffff;
	s18 =	sadd.s32 $0x1, s18;
	[tilespmem:s31+$0xFFFFFFC0] =	vst v57  }
0x3f: {  	v63 =	vld.idx.msk [tilespmem:v0+s19+$0x20 ss:$0x1], $0xffff;
	p1 =	sne.s32 s18, $0x8;
	[tilespmem:s31+$0xFFFFFFD0] =	vst v58  }
.Ltmp4:
0x40: {  	[tilespmem:s31+$0xFFFFFFE0] =	vst v59;
	(pc) =	sbr.rel @p1 .LBB1_4-.Ltmp4, $4  }
0x41: {  	[tilespmem:s31+$0xFFFFFFF0] =	vst v60  }
0x42: {  	[tilespmem:s31+$0x0] =	vst v61  }
0x43: {  	[tilespmem:s31+$0x10] =	vst v62  }
0x44: {  	s16 =	sadd.s32 $0x80, s16;
	s17 =	sadd.s32 $0x400, s17;
	[tilespmem:s31+$0x20] =	vst v63  }
.Ltmp5:
0x45: {  	(pc) =	sbr.rel @p0 .LBB1_3-.Ltmp5, $2  }
0x46: {  	_ =	sdelay $0x2  }
0x47: {  	s16 =	simm.s32 $0x2000;
	p1 =	por $0x0, $0x0  }
.Ltmp6:
0x48: {  	(pc) =	sbr.rel .LBB1_9-.Ltmp6, $4  }
0x49: {  	_ = 	snop  }
0x4a: {  	s12 =	sshll.u32 s12, $0xA  }
0x4b: {  	s12 =	sadd.s32 s4, s12  }
0x4c: {  	[hbm4b:s12+s8] =	stream.linear.scatter [tilespmem:s13], [sflag:$0x2], $0x4000, $0x38;
	[tilespmem:$0x10000] =	vst v63  }
.LBB1_10:
0x4d: {  	_ =	sfence.sel $0x180000  }
0x4e: {  	s2 =	simm.s32 $0x1;
	[bflag:$0x0] =	sbarrier.arrive $0xFFFF  }
0x4f: {  	s31 =	simm.s32 $0x2;
	[sflag:s2] =	ssyncpa.u1 $0x1  }
0x50: {  	[sflag:s31] =	ssyncpa.u1 $0x1  }
0x51: {  	p0 =	sne.s32 s0, $0x0;
	_ =	strace $0x90000047  }
0x52: {  	s0 =	sadd.s32 @!p0 $0x100000, s1;
	[bflag:$0x2] =	sbarrier.arrive $0xFFFF  }
0x53: {  	[sflag:s0] =	ssyncadd.tile.s32 @!p0 $0x1;
	_ =	shalt  }
.Lfunc_end1:
_tile_overlayer_lowered:
.L_overlay_start_2:
0x54: {  	(tag) =	ssettag $0x2  }
0x55: {  	s0 =	rddreg [dreg:$0x0];
	s2 =	stileid.u32  }
0x56: {  	s1 =	rddreg [dreg:$0x1];
	p0 =	sne.s32 s2, $0x0  }
0x57: {  	s3 =	rddreg [dreg:$0x2];
	[bflag:$0x3] =	sbarrier.arrive $0xFFFF;
	s2 =	simm.s32 @!p0 $0x1C01  }
0x58: {  	[timem:s3], [sflag:s2] =	dma.local @!p0 [hbm:s0], s1  }
0x59: {  	s0 =	simm.s32 @!p0 $0x1  }
0x5a: {  	_ =	swait.ge @!p0 [sflag:s0], s1  }
0x5b: {  	s1 =	ssub.s32 @!p0 $0x0, s1;
	[sflag:s0] =	ssyncset.done @!p0 $0x0  }
0x5c: {  	[sflag:s0] =	ssyncadd.s32 @!p0 s1  }
0x5d: {  	[bflag:$0x3] =	sbarrier.arrive $0xFFFF  }
0x5e: {  	_ =	shalt  }

</sc_bundles>
